<compile_context>
chip_gen: v7x
topology: tpu7x:2x2x1
jax: 0.10.2.dev20260603
libtpu: 0.0.44.dev20260713+nightly
codegen_flags: <defaults>
</compile_context>

<pallas_src>
import jax
import jax.numpy as jnp
from jax import lax
from jax.experimental import pallas as pl
from jax.experimental.pallas import tpu as pltpu
from jax.experimental.pallas import tpu_sc as plsc

N_NODES = 10000
N_EDGES = 320000
D_FEAT = 128
NCLS = 16
DOUT = 2 * NCLS

NC = 2
NS = 16
NW = NC * NS
L = 16

BLK = 128
NBLOCK = N_EDGES // BLK
NB_LO = NBLOCK // NW
NB_REM = NBLOCK % NW
IDX_MAX = (NB_LO + 1) * BLK
SKEW = BLK + 1


def _proj_body(f_ref, ww_ref, wx_ref, o_ref):
    o_ref[...] = jnp.concatenate(
        [jnp.dot(f_ref[...], ww_ref[...].T, preferred_element_type=jnp.float32),
         jnp.dot(f_ref[...], wx_ref[...].T, preferred_element_type=jnp.float32)],
        axis=1)


_proj = pl.pallas_call(
    _proj_body,
    out_shape=jax.ShapeDtypeStruct((N_NODES, DOUT), jnp.float32),
)


def _edge_body(p_hbm, edge_hbm, bw_hbm, bx_hbm, pw_hbm, px_hbm,
               idx_s, idx_d, rows_sa, rows_da, rows_sb, rows_db,
               st_wa, st_xa, st_wb, st_xb, bias_v,
               sem_a, sem_b, sem_oa, sem_ob):
    wid = lax.axis_index("s") * NC + lax.axis_index("c")
    nb = NB_LO + jnp.where(wid < NB_REM, 1, 0)
    sb = NB_LO * wid + jnp.minimum(wid, NB_REM)
    ebase = pl.multiple_of(sb * BLK, 8)

    pltpu.sync_copy(bw_hbm, bias_v.at[pl.ds(0, NCLS)])
    pltpu.sync_copy(bx_hbm, bias_v.at[pl.ds(NCLS, NCLS)])
    pltpu.sync_copy(edge_hbm.at[0, pl.ds(ebase, NB_LO * BLK)],
                    idx_s.at[pl.ds(0, NB_LO * BLK)])
    pltpu.sync_copy(edge_hbm.at[1, pl.ds(ebase, NB_LO * BLK)],
                    idx_d.at[pl.ds(0, NB_LO * BLK)])

    @pl.when(nb > NB_LO)
    def _():
        pltpu.sync_copy(edge_hbm.at[0, pl.ds(ebase + NB_LO * BLK, BLK)],
                        idx_s.at[pl.ds(NB_LO * BLK, BLK)])
        pltpu.sync_copy(edge_hbm.at[1, pl.ds(ebase + NB_LO * BLK, BLK)],
                        idx_d.at[pl.ds(NB_LO * BLK, BLK)])

    b_lo = bias_v[pl.ds(0, L)]
    b_hi = bias_v[pl.ds(L, L)]
    il = lax.broadcasted_iota(jnp.int32, (L,), 0)
    a_idx = il >> 3
    r_idx = il & 7

    def fire(c, rows_s, rows_d, sem):
        cbase = pl.multiple_of(c * BLK, 8)
        pltpu.async_copy(p_hbm.at[idx_s.at[pl.ds(cbase, BLK)]], rows_s, sem)
        pltpu.async_copy(p_hbm.at[idx_d.at[pl.ds(cbase, BLK)]], rows_d, sem)

    def drain_gather(rows_s, rows_d, sem):
        pltpu.make_async_copy(p_hbm.at[pl.ds(0, BLK)], rows_s, sem).wait()
        pltpu.make_async_copy(p_hbm.at[pl.ds(0, BLK)], rows_d, sem).wait()

    def drain_out(st_w, st_x, sem):
        pltpu.make_async_copy(pw_hbm.at[:, 0],
                              st_w.at[:, :, pl.ds(0, BLK)], sem).wait()
        pltpu.make_async_copy(px_hbm.at[:, 0],
                              st_x.at[:, :, pl.ds(0, BLK)], sem).wait()

    def run_chunk(c, rows_s, rows_d, st_w, st_x, sem_o):
        @pl.when(c >= 2)
        def _():
            drain_out(st_w, st_x, sem_o)

        @plsc.parallel_loop(0, BLK, step=1, unroll=8,
                            carry=jnp.zeros((L,), jnp.int32))
        def _(l, lv):
            vw = rows_s[l, pl.ds(0, L)] - rows_d[l, pl.ds(0, L)] + b_lo
            vx = rows_s[l, pl.ds(L, L)] - rows_d[l, pl.ds(L, L)] + b_hi
            plsc.store_scatter(st_w, [a_idx, r_idx, lv], vw)
            plsc.store_scatter(st_x, [a_idx, r_idx, lv], vx)
            return lv + 1

        blk_id = sb + c
        pltpu.async_copy(st_w.at[:, :, pl.ds(0, BLK)], pw_hbm.at[:, blk_id],
                         sem_o)
        pltpu.async_copy(st_x.at[:, :, pl.ds(0, BLK)], px_hbm.at[:, blk_id],
                         sem_o)

    fire(0, rows_sa, rows_da, sem_a)

    def pair_body(t, carry):
        c0 = 2 * t
        c1 = c0 + 1

        @pl.when(c1 < nb)
        def _():
            fire(c1, rows_sb, rows_db, sem_b)

        drain_gather(rows_sa, rows_da, sem_a)
        run_chunk(c0, rows_sa, rows_da, st_wa, st_xa, sem_oa)

        @pl.when(c1 < nb)
        def _():
            @pl.when(c1 + 1 < nb)
            def _():
                fire(c1 + 1, rows_sa, rows_da, sem_a)

            drain_gather(rows_sb, rows_db, sem_b)
            run_chunk(c1, rows_sb, rows_db, st_wb, st_xb, sem_ob)

        return carry

    lax.fori_loop(0, (nb + 1) // 2, pair_body, 0)
    drain_out(st_wa, st_xa, sem_oa)
    drain_out(st_wb, st_xb, sem_ob)


_edge = pl.kernel(
    _edge_body,
    out_type=(jax.ShapeDtypeStruct((2, NBLOCK, 8, BLK), jnp.float32),
              jax.ShapeDtypeStruct((2, NBLOCK, 8, BLK), jnp.float32)),
    mesh=plsc.VectorSubcoreMesh(core_axis_name="c", subcore_axis_name="s",
                                num_cores=NC, num_subcores=NS),
    compiler_params=pltpu.CompilerParams(use_tc_tiling_on_sc=False,
                                         needs_layout_passes=False),
    scratch_types=[
        pltpu.VMEM((IDX_MAX,), jnp.int32),
        pltpu.VMEM((IDX_MAX,), jnp.int32),
        pltpu.VMEM((BLK, DOUT), jnp.float32),
        pltpu.VMEM((BLK, DOUT), jnp.float32),
        pltpu.VMEM((BLK, DOUT), jnp.float32),
        pltpu.VMEM((BLK, DOUT), jnp.float32),
        pltpu.VMEM((2, 8, SKEW), jnp.float32),
        pltpu.VMEM((2, 8, SKEW), jnp.float32),
        pltpu.VMEM((2, 8, SKEW), jnp.float32),
        pltpu.VMEM((2, 8, SKEW), jnp.float32),
        pltpu.VMEM((DOUT,), jnp.float32),
        pltpu.SemaphoreType.DMA,
        pltpu.SemaphoreType.DMA,
        pltpu.SemaphoreType.DMA,
        pltpu.SemaphoreType.DMA,
    ],
)


def kernel(features, edge_index, W_w, b_w, W_x, b_x):
    p = _proj(features, W_w, W_x)
    ei = edge_index.astype(jnp.int32)
    pw, px = _edge(p, ei, b_w, b_x)
    w = pw.transpose(1, 3, 0, 2).reshape(N_EDGES, NCLS)
    x = px.transpose(1, 3, 0, 2).reshape(N_EDGES, NCLS)
    return w, x

# --- scband reference (transcript-rebuilt; emitter-appended) ---
"""Pipeline reference for scband-score-predictor-79285096284696 (READ-ONLY COPY).

The authoritative reference and input builder live on the scoring server;
editing this copy changes nothing except your own understanding.
"""

import jax, jax.numpy as jnp
import numpy as np

N_NODES = 10000
N_EDGES = 320000
D_FEAT = 128
NUM_CLASSES = 16


def setup_inputs(seed: int = 0) -> dict:
    key = jax.random.key(seed)
    k1, k2, k3, k4, k5, k6 = jax.random.split(key, 6)
    features = jax.random.normal(k1, (N_NODES, D_FEAT), dtype=jnp.float32)
    edge_index = jax.random.randint(k2, (2, N_EDGES), 0, N_NODES, dtype=jnp.int64)
    # Linear layer params (PyTorch nn.Linear style: weight [out, in], bias [out])
    bound = 1.0 / np.sqrt(D_FEAT)
    W_w = jax.random.uniform(k3, (NUM_CLASSES, D_FEAT), dtype=jnp.float32, minval=-bound, maxval=bound)
    b_w = jax.random.uniform(k4, (NUM_CLASSES,), dtype=jnp.float32, minval=-bound, maxval=bound)
    W_x = jax.random.uniform(k5, (NUM_CLASSES, D_FEAT), dtype=jnp.float32, minval=-bound, maxval=bound)
    b_x = jax.random.uniform(k6, (NUM_CLASSES,), dtype=jnp.float32, minval=-bound, maxval=bound)
    return {"features": features, "edge_index": edge_index, "W_w": W_w, "b_w": b_w, "W_x": W_x, "b_x": b_x}


def reference(features, edge_index, W_w, b_w, W_x, b_x):
    # DGL apply_edges: score = h_src - h_dst  (per-edge gather + subtract)
    src = edge_index[0]
    dst = edge_index[1]
    h_src = jnp.take(features, src, axis=0)
    h_dst = jnp.take(features, dst, axis=0)
    score = h_src - h_dst  # [E, D_FEAT]
    w = score @ W_w.T + b_w  # [E, NUM_CLASSES]
    x = score @ W_x.T + b_x  # [E, NUM_CLASSES]
    return (w, x)

if __name__ == "__main__":
    import jax
    _d = setup_inputs()
    print(jax.jit(kernel)(*tuple(_d.values())))

</pallas_src>

<mosaic_0001>
#map = affine_map<(d0, d1) -> (0, 0)>
#map1 = affine_map<(d0, d1) -> (0)>
#map2 = affine_map<(d0, d1) -> (0, 0, 0, 0)>
module attributes {stable_mosaic.version = 14 : i64} {
  func.func @_edge_body(%arg0: i32, %arg1: i32, %arg2: memref<10000x32xf32, #tpu.memory_space<hbm>>, %arg3: memref<2x320000xi32, #tpu.memory_space<hbm>>, %arg4: memref<16xf32, #tpu.memory_space<hbm>>, %arg5: memref<16xf32, #tpu.memory_space<hbm>>, %arg6: memref<2x2500x8x128xf32, #tpu.memory_space<hbm>>, %arg7: memref<2x2500x8x128xf32, #tpu.memory_space<hbm>>, %arg8: memref<10112xi32, #tpu.memory_space<vmem>>, %arg9: memref<10112xi32, #tpu.memory_space<vmem>>, %arg10: memref<128x32xf32, #tpu.memory_space<vmem>>, %arg11: memref<128x32xf32, #tpu.memory_space<vmem>>, %arg12: memref<128x32xf32, #tpu.memory_space<vmem>>, %arg13: memref<128x32xf32, #tpu.memory_space<vmem>>, %arg14: memref<2x8x129xf32, #tpu.memory_space<vmem>>, %arg15: memref<2x8x129xf32, #tpu.memory_space<vmem>>, %arg16: memref<2x8x129xf32, #tpu.memory_space<vmem>>, %arg17: memref<2x8x129xf32, #tpu.memory_space<vmem>>, %arg18: memref<32xf32, #tpu.memory_space<vmem>>, %arg19: memref<!tpu.dma_semaphore, #tpu.memory_space<semaphore_mem>>, %arg20: memref<!tpu.dma_semaphore, #tpu.memory_space<semaphore_mem>>, %arg21: memref<!tpu.dma_semaphore, #tpu.memory_space<semaphore_mem>>, %arg22: memref<!tpu.dma_semaphore, #tpu.memory_space<semaphore_mem>>) attributes {dimension_semantics = [#tpu.dimension_semantics<core_parallel>, #tpu.dimension_semantics<subcore_parallel>], iteration_bounds = array<i64: 2, 16>, scalar_prefetch = 0 : i64, scratch_operands = 15 : i64, tpu.core_type = #tpu.core_type<sc_vector_subcore>, window_params = [{transform_indices = #map}, {transform_indices = #map}, {transform_indices = #map1}, {transform_indices = #map1}, {transform_indices = #map2}, {transform_indices = #map2}]} {
    %mul3A = arith.constant 2 : i32
    %mul3A_0 = arith.muli %arg1, %mul3A : i32
    %add3A = arith.addi %mul3A_0, %arg0 : i32
    %lt3A = arith.constant 4 : i32
    %lt3A_1 = arith.cmpi slt, %add3A, %lt3A : i32
    %jit3A = arith.constant 1 : i32
    %jit3A_2 = arith.constant 0 : i32
    %select_n3A = arith.select %lt3A_1, %jit3A, %jit3A_2 : i32
    %add3A_3 = arith.constant 78 : i32
    %add3A_4 = arith.addi %add3A_3, %select_n3A : i32
    %mul3A_5 = arith.constant 78 : i32
    %mul3A_6 = arith.muli %mul3A_5, %add3A : i32
    %min3A = arith.constant 4 : i32
    %min3A_7 = arith.minsi %add3A, %min3A : i32
    %add3A_8 = arith.addi %mul3A_6, %min3A_7 : i32
    %mul3A_9 = arith.constant 128 : i32
    %mul3A_10 = arith.muli %add3A_8, %mul3A_9 : i32
    %multiple_of3A = tpu.assume_multiple %mul3A_10, 8 : i32
    "tpu.region"() ({
      %run_scoped3A_135 = tpu.sem_alloc : memref<!tpu.dma_semaphore, #tpu.memory_space<semaphore_mem>>
      %dma_start3A_136 = arith.constant 0 : i32
      %dma_start3A_137 = tpu.memref_slice %arg18[%dma_start3A_136] : memref<32xf32, #tpu.memory_space<vmem>> -> memref<16xf32, #tpu.memory_space<vmem>>
      %dma_start3A_138 = arith.constant 0 : i32
      %dma_start3A_139 = tpu.memref_slice %arg18[%dma_start3A_138] : memref<32xf32, #tpu.memory_space<vmem>> -> memref<16xf32, #tpu.memory_space<vmem>>
      tpu.enqueue_dma source(%arg4 : memref<16xf32, #tpu.memory_space<hbm>>) target(%dma_start3A_139 : memref<16xf32, #tpu.memory_space<vmem>>) target_semaphore(%run_scoped3A_135 : memref<!tpu.dma_semaphore, #tpu.memory_space<semaphore_mem>>)
      %dma_wait3A_140 = arith.constant 0 : i32
      %dma_wait3A_141 = tpu.memref_slice %arg18[%dma_wait3A_140] : memref<32xf32, #tpu.memory_space<vmem>> -> memref<16xf32, #tpu.memory_space<vmem>>
      %dma_wait3A_142 = arith.constant 0 : i32
      %dma_wait3A_143 = tpu.memref_slice %arg18[%dma_wait3A_142] : memref<32xf32, #tpu.memory_space<vmem>> -> memref<16xf32, #tpu.memory_space<vmem>>
      tpu.wait_dma2 semaphore(%run_scoped3A_135 : memref<!tpu.dma_semaphore, #tpu.memory_space<semaphore_mem>>) src(%arg4 : memref<16xf32, #tpu.memory_space<hbm>>) dst(%dma_wait3A_143 : memref<16xf32, #tpu.memory_space<vmem>>)
      tpu.yield
    }) : () -> ()
    "tpu.region"() ({
      %run_scoped3A_135 = tpu.sem_alloc : memref<!tpu.dma_semaphore, #tpu.memory_space<semaphore_mem>>
      %dma_start3A_136 = arith.constant 16 : i32
      %dma_start3A_137 = tpu.memref_slice %arg18[%dma_start3A_136] : memref<32xf32, #tpu.memory_space<vmem>> -> memref<16xf32, #tpu.memory_space<vmem>>
      %dma_start3A_138 = arith.constant 16 : i32
      %dma_start3A_139 = tpu.memref_slice %arg18[%dma_start3A_138] : memref<32xf32, #tpu.memory_space<vmem>> -> memref<16xf32, #tpu.memory_space<vmem>>
      tpu.enqueue_dma source(%arg5 : memref<16xf32, #tpu.memory_space<hbm>>) target(%dma_start3A_139 : memref<16xf32, #tpu.memory_space<vmem>>) target_semaphore(%run_scoped3A_135 : memref<!tpu.dma_semaphore, #tpu.memory_space<semaphore_mem>>)
      %dma_wait3A_140 = arith.constant 16 : i32
      %dma_wait3A_141 = tpu.memref_slice %arg18[%dma_wait3A_140] : memref<32xf32, #tpu.memory_space<vmem>> -> memref<16xf32, #tpu.memory_space<vmem>>
      %dma_wait3A_142 = arith.constant 16 : i32
      %dma_wait3A_143 = tpu.memref_slice %arg18[%dma_wait3A_142] : memref<32xf32, #tpu.memory_space<vmem>> -> memref<16xf32, #tpu.memory_space<vmem>>
      tpu.wait_dma2 semaphore(%run_scoped3A_135 : memref<!tpu.dma_semaphore, #tpu.memory_space<semaphore_mem>>) src(%arg5 : memref<16xf32, #tpu.memory_space<hbm>>) dst(%dma_wait3A_143 : memref<16xf32, #tpu.memory_space<vmem>>)
      tpu.yield
    }) : () -> ()
    %run_scoped3A = arith.constant 0 : i32
    "tpu.region"() ({
      %run_scoped3A_135 = tpu.sem_alloc : memref<!tpu.dma_semaphore, #tpu.memory_space<semaphore_mem>>
      %dma_start3A_136 = arith.constant 0 : i32
      %dma_start3A_137 = tpu.memref_slice %arg8[%dma_start3A_136] : memref<10112xi32, #tpu.memory_space<vmem>> -> memref<9984xi32, #tpu.memory_space<vmem>>
      %dma_start3A_138 = tpu.memref_slice %arg3[%run_scoped3A, %multiple_of3A] : memref<2x320000xi32, #tpu.memory_space<hbm>> -> memref<1x9984xi32, #tpu.memory_space<hbm>>
      %dma_start3A_139 = tpu.memref_squeeze %dma_start3A_138 : memref<1x9984xi32, #tpu.memory_space<hbm>> -> memref<9984xi32, #tpu.memory_space<hbm>>
      %dma_start3A_140 = arith.constant 0 : i32
      %dma_start3A_141 = tpu.memref_slice %arg8[%dma_start3A_140] : memref<10112xi32, #tpu.memory_space<vmem>> -> memref<9984xi32, #tpu.memory_space<vmem>>
      %dma_start3A_142 = tpu.memref_slice %arg3[%run_scoped3A, %multiple_of3A] : memref<2x320000xi32, #tpu.memory_space<hbm>> -> memref<1x9984xi32, #tpu.memory_space<hbm>>
      %dma_start3A_143 = tpu.memref_squeeze %dma_start3A_142 : memref<1x9984xi32, #tpu.memory_space<hbm>> -> memref<9984xi32, #tpu.memory_space<hbm>>
      tpu.enqueue_dma source(%dma_start3A_143 : memref<9984xi32, #tpu.memory_space<hbm>>) target(%dma_start3A_141 : memref<9984xi32, #tpu.memory_space<vmem>>) target_semaphore(%run_scoped3A_135 : memref<!tpu.dma_semaphore, #tpu.memory_space<semaphore_mem>>)
      %dma_wait3A_144 = arith.constant 0 : i32
      %dma_wait3A_145 = tpu.memref_slice %arg8[%dma_wait3A_144] : memref<10112xi32, #tpu.memory_space<vmem>> -> memref<9984xi32, #tpu.memory_space<vmem>>
      %dma_wait3A_146 = tpu.memref_slice %arg3[%run_scoped3A, %multiple_of3A] : memref<2x320000xi32, #tpu.memory_space<hbm>> -> memref<1x9984xi32, #tpu.memory_space<hbm>>
      %dma_wait3A_147 = tpu.memref_squeeze %dma_wait3A_146 : memref<1x9984xi32, #tpu.memory_space<hbm>> -> memref<9984xi32, #tpu.memory_space<hbm>>
      %dma_wait3A_148 = arith.constant 0 : i32
      %dma_wait3A_149 = tpu.memref_slice %arg8[%dma_wait3A_148] : memref<10112xi32, #tpu.memory_space<vmem>> -> memref<9984xi32, #tpu.memory_space<vmem>>
      %dma_wait3A_150 = tpu.memref_slice %arg3[%run_scoped3A, %multiple_of3A] : memref<2x320000xi32, #tpu.memory_space<hbm>> -> memref<1x9984xi32, #tpu.memory_space<hbm>>
      %dma_wait3A_151 = tpu.memref_squeeze %dma_wait3A_150 : memref<1x9984xi32, #tpu.memory_space<hbm>> -> memref<9984xi32, #tpu.memory_space<hbm>>
      tpu.wait_dma2 semaphore(%run_scoped3A_135 : memref<!tpu.dma_semaphore, #tpu.memory_space<semaphore_mem>>) src(%dma_wait3A_151 : memref<9984xi32, #tpu.memory_space<hbm>>) dst(%dma_wait3A_149 : memref<9984xi32, #tpu.memory_space<vmem>>)
      tpu.yield
    }) : () -> ()
    %run_scoped3A_11 = arith.constant 1 : i32
    "tpu.region"() ({
      %run_scoped3A_135 = tpu.sem_alloc : memref<!tpu.dma_semaphore, #tpu.memory_space<semaphore_mem>>
      %dma_start3A_136 = arith.constant 0 : i32
      %dma_start3A_137 = tpu.memref_slice %arg9[%dma_start3A_136] : memref<10112xi32, #tpu.memory_space<vmem>> -> memref<9984xi32, #tpu.memory_space<vmem>>
      %dma_start3A_138 = tpu.memref_slice %arg3[%run_scoped3A_11, %multiple_of3A] : memref<2x320000xi32, #tpu.memory_space<hbm>> -> memref<1x9984xi32, #tpu.memory_space<hbm>>
      %dma_start3A_139 = tpu.memref_squeeze %dma_start3A_138 : memref<1x9984xi32, #tpu.memory_space<hbm>> -> memref<9984xi32, #tpu.memory_space<hbm>>
      %dma_start3A_140 = arith.constant 0 : i32
      %dma_start3A_141 = tpu.memref_slice %arg9[%dma_start3A_140] : memref<10112xi32, #tpu.memory_space<vmem>> -> memref<9984xi32, #tpu.memory_space<vmem>>
      %dma_start3A_142 = tpu.memref_slice %arg3[%run_scoped3A_11, %multiple_of3A] : memref<2x320000xi32, #tpu.memory_space<hbm>> -> memref<1x9984xi32, #tpu.memory_space<hbm>>
      %dma_start3A_143 = tpu.memref_squeeze %dma_start3A_142 : memref<1x9984xi32, #tpu.memory_space<hbm>> -> memref<9984xi32, #tpu.memory_space<hbm>>
      tpu.enqueue_dma source(%dma_start3A_143 : memref<9984xi32, #tpu.memory_space<hbm>>) target(%dma_start3A_141 : memref<9984xi32, #tpu.memory_space<vmem>>) target_semaphore(%run_scoped3A_135 : memref<!tpu.dma_semaphore, #tpu.memory_space<semaphore_mem>>)
      %dma_wait3A_144 = arith.constant 0 : i32
      %dma_wait3A_145 = tpu.memref_slice %arg9[%dma_wait3A_144] : memref<10112xi32, #tpu.memory_space<vmem>> -> memref<9984xi32, #tpu.memory_space<vmem>>
      %dma_wait3A_146 = tpu.memref_slice %arg3[%run_scoped3A_11, %multiple_of3A] : memref<2x320000xi32, #tpu.memory_space<hbm>> -> memref<1x9984xi32, #tpu.memory_space<hbm>>
      %dma_wait3A_147 = tpu.memref_squeeze %dma_wait3A_146 : memref<1x9984xi32, #tpu.memory_space<hbm>> -> memref<9984xi32, #tpu.memory_space<hbm>>
      %dma_wait3A_148 = arith.constant 0 : i32
      %dma_wait3A_149 = tpu.memref_slice %arg9[%dma_wait3A_148] : memref<10112xi32, #tpu.memory_space<vmem>> -> memref<9984xi32, #tpu.memory_space<vmem>>
      %dma_wait3A_150 = tpu.memref_slice %arg3[%run_scoped3A_11, %multiple_of3A] : memref<2x320000xi32, #tpu.memory_space<hbm>> -> memref<1x9984xi32, #tpu.memory_space<hbm>>
      %dma_wait3A_151 = tpu.memref_squeeze %dma_wait3A_150 : memref<1x9984xi32, #tpu.memory_space<hbm>> -> memref<9984xi32, #tpu.memory_space<hbm>>
      tpu.wait_dma2 semaphore(%run_scoped3A_135 : memref<!tpu.dma_semaphore, #tpu.memory_space<semaphore_mem>>) src(%dma_wait3A_151 : memref<9984xi32, #tpu.memory_space<hbm>>) dst(%dma_wait3A_149 : memref<9984xi32, #tpu.memory_space<vmem>>)
      tpu.yield
    }) : () -> ()
    %gt3A = arith.constant 78 : i32
    %gt3A_12 = arith.cmpi sgt, %add3A_4, %gt3A : i32
    %convert_element_type3A = arith.extui %gt3A_12 : i1 to i32
    %cond3A = arith.constant 0 : i32
    %cond3A_13 = arith.cmpi ne, %convert_element_type3A, %cond3A : i32
    scf.if %cond3A_13 {
      %add3A_135 = arith.constant 9984 : i32
      %add3A_136 = arith.addi %multiple_of3A, %add3A_135 : i32
      %run_scoped3A_137 = arith.constant 0 : i32
      "tpu.region"() ({
        %run_scoped3A_141 = tpu.sem_alloc : memref<!tpu.dma_semaphore, #tpu.memory_space<semaphore_mem>>
        %dma_start3A_142 = arith.constant 9984 : i32
        %dma_start3A_143 = tpu.memref_slice %arg8[%dma_start3A_142] : memref<10112xi32, #tpu.memory_space<vmem>> -> memref<128xi32, #tpu.memory_space<vmem>>
        %dma_start3A_144 = tpu.memref_slice %arg3[%run_scoped3A_137, %add3A_136] : memref<2x320000xi32, #tpu.memory_space<hbm>> -> memref<1x128xi32, #tpu.memory_space<hbm>>
        %dma_start3A_145 = tpu.memref_squeeze %dma_start3A_144 : memref<1x128xi32, #tpu.memory_space<hbm>> -> memref<128xi32, #tpu.memory_space<hbm>>
        %dma_start3A_146 = arith.constant 9984 : i32
        %dma_start3A_147 = tpu.memref_slice %arg8[%dma_start3A_146] : memref<10112xi32, #tpu.memory_space<vmem>> -> memref<128xi32, #tpu.memory_space<vmem>>
        %dma_start3A_148 = tpu.memref_slice %arg3[%run_scoped3A_137, %add3A_136] : memref<2x320000xi32, #tpu.memory_space<hbm>> -> memref<1x128xi32, #tpu.memory_space<hbm>>
        %dma_start3A_149 = tpu.memref_squeeze %dma_start3A_148 : memref<1x128xi32, #tpu.memory_space<hbm>> -> memref<128xi32, #tpu.memory_space<hbm>>
        tpu.enqueue_dma source(%dma_start3A_149 : memref<128xi32, #tpu.memory_space<hbm>>) target(%dma_start3A_147 : memref<128xi32, #tpu.memory_space<vmem>>) target_semaphore(%run_scoped3A_141 : memref<!tpu.dma_semaphore, #tpu.memory_space<semaphore_mem>>)
        %dma_wait3A_150 = arith.constant 9984 : i32
        %dma_wait3A_151 = tpu.memref_slice %arg8[%dma_wait3A_150] : memref<10112xi32, #tpu.memory_space<vmem>> -> memref<128xi32, #tpu.memory_space<vmem>>
        %dma_wait3A_152 = tpu.memref_slice %arg3[%run_scoped3A_137, %add3A_136] : memref<2x320000xi32, #tpu.memory_space<hbm>> -> memref<1x128xi32, #tpu.memory_space<hbm>>
        %dma_wait3A_153 = tpu.memref_squeeze %dma_wait3A_152 : memref<1x128xi32, #tpu.memory_space<hbm>> -> memref<128xi32, #tpu.memory_space<hbm>>
        %dma_wait3A_154 = arith.constant 9984 : i32
        %dma_wait3A_155 = tpu.memref_slice %arg8[%dma_wait3A_154] : memref<10112xi32, #tpu.memory_space<vmem>> -> memref<128xi32, #tpu.memory_space<vmem>>
        %dma_wait3A_156 = tpu.memref_slice %arg3[%run_scoped3A_137, %add3A_136] : memref<2x320000xi32, #tpu.memory_space<hbm>> -> memref<1x128xi32, #tpu.memory_space<hbm>>
        %dma_wait3A_157 = tpu.memref_squeeze %dma_wait3A_156 : memref<1x128xi32, #tpu.memory_space<hbm>> -> memref<128xi32, #tpu.memory_space<hbm>>
        tpu.wait_dma2 semaphore(%run_scoped3A_141 : memref<!tpu.dma_semaphore, #tpu.memory_space<semaphore_mem>>) src(%dma_wait3A_157 : memref<128xi32, #tpu.memory_space<hbm>>) dst(%dma_wait3A_155 : memref<128xi32, #tpu.memory_space<vmem>>)
        tpu.yield
      }) : () -> ()
      %add3A_138 = arith.constant 9984 : i32
      %add3A_139 = arith.addi %multiple_of3A, %add3A_138 : i32
      %run_scoped3A_140 = arith.constant 1 : i32
      "tpu.region"() ({
        %run_scoped3A_141 = tpu.sem_alloc : memref<!tpu.dma_semaphore, #tpu.memory_space<semaphore_mem>>
        %dma_start3A_142 = arith.constant 9984 : i32
        %dma_start3A_143 = tpu.memref_slice %arg9[%dma_start3A_142] : memref<10112xi32, #tpu.memory_space<vmem>> -> memref<128xi32, #tpu.memory_space<vmem>>
        %dma_start3A_144 = tpu.memref_slice %arg3[%run_scoped3A_140, %add3A_139] : memref<2x320000xi32, #tpu.memory_space<hbm>> -> memref<1x128xi32, #tpu.memory_space<hbm>>
        %dma_start3A_145 = tpu.memref_squeeze %dma_start3A_144 : memref<1x128xi32, #tpu.memory_space<hbm>> -> memref<128xi32, #tpu.memory_space<hbm>>
        %dma_start3A_146 = arith.constant 9984 : i32
        %dma_start3A_147 = tpu.memref_slice %arg9[%dma_start3A_146] : memref<10112xi32, #tpu.memory_space<vmem>> -> memref<128xi32, #tpu.memory_space<vmem>>
        %dma_start3A_148 = tpu.memref_slice %arg3[%run_scoped3A_140, %add3A_139] : memref<2x320000xi32, #tpu.memory_space<hbm>> -> memref<1x128xi32, #tpu.memory_space<hbm>>
        %dma_start3A_149 = tpu.memref_squeeze %dma_start3A_148 : memref<1x128xi32, #tpu.memory_space<hbm>> -> memref<128xi32, #tpu.memory_space<hbm>>
        tpu.enqueue_dma source(%dma_start3A_149 : memref<128xi32, #tpu.memory_space<hbm>>) target(%dma_start3A_147 : memref<128xi32, #tpu.memory_space<vmem>>) target_semaphore(%run_scoped3A_141 : memref<!tpu.dma_semaphore, #tpu.memory_space<semaphore_mem>>)
        %dma_wait3A_150 = arith.constant 9984 : i32
        %dma_wait3A_151 = tpu.memref_slice %arg9[%dma_wait3A_150] : memref<10112xi32, #tpu.memory_space<vmem>> -> memref<128xi32, #tpu.memory_space<vmem>>
        %dma_wait3A_152 = tpu.memref_slice %arg3[%run_scoped3A_140, %add3A_139] : memref<2x320000xi32, #tpu.memory_space<hbm>> -> memref<1x128xi32, #tpu.memory_space<hbm>>
        %dma_wait3A_153 = tpu.memref_squeeze %dma_wait3A_152 : memref<1x128xi32, #tpu.memory_space<hbm>> -> memref<128xi32, #tpu.memory_space<hbm>>
        %dma_wait3A_154 = arith.constant 9984 : i32
        %dma_wait3A_155 = tpu.memref_slice %arg9[%dma_wait3A_154] : memref<10112xi32, #tpu.memory_space<vmem>> -> memref<128xi32, #tpu.memory_space<vmem>>
        %dma_wait3A_156 = tpu.memref_slice %arg3[%run_scoped3A_140, %add3A_139] : memref<2x320000xi32, #tpu.memory_space<hbm>> -> memref<1x128xi32, #tpu.memory_space<hbm>>
        %dma_wait3A_157 = tpu.memref_squeeze %dma_wait3A_156 : memref<1x128xi32, #tpu.memory_space<hbm>> -> memref<128xi32, #tpu.memory_space<hbm>>
        tpu.wait_dma2 semaphore(%run_scoped3A_141 : memref<!tpu.dma_semaphore, #tpu.memory_space<semaphore_mem>>) src(%dma_wait3A_157 : memref<128xi32, #tpu.memory_space<hbm>>) dst(%dma_wait3A_155 : memref<128xi32, #tpu.memory_space<vmem>>)
        tpu.yield
      }) : () -> ()
    } else {
    }
    %get3A = arith.constant 0 : index
    %get3A_14 = tpu.vector_load %arg18[%get3A] {strides = array<i32>} : memref<32xf32, #tpu.memory_space<vmem>>, vector<16xf32>,
    %get3A_15 = arith.constant 16 : index
    %get3A_16 = tpu.vector_load %arg18[%get3A_15] {strides = array<i32>} : memref<32xf32, #tpu.memory_space<vmem>>, vector<16xf32>,
    %iota3A = tpu.iota {dimensions = array<i32: 0>} : vector<16xi32>
    %shift_right_arithmetic3A = arith.constant 3 : i32
    %shift_right_arithmetic3A_17 = vector.broadcast %shift_right_arithmetic3A : i32 to vector<16xi32>
    %shift_right_arithmetic3A_18 = arith.shrsi %iota3A, %shift_right_arithmetic3A_17 : vector<16xi32>
    %and3A = arith.constant 7 : i32
    %and3A_19 = vector.broadcast %and3A : i32 to vector<16xi32>
    %and3A_20 = arith.andi %iota3A, %and3A_19 : vector<16xi32>
    %multiple_of3A_21 = arith.constant 0 : i32
    %multiple_of3A_22 = tpu.assume_multiple %multiple_of3A_21, 8 : i32
    %dma_start3A = tpu.memref_slice %arg8[%multiple_of3A_22] : memref<10112xi32, #tpu.memory_space<vmem>> -> memref<128xi32, #tpu.memory_space<vmem>>
    %dma_start3A_23 = arith.constant 0 : i32
    %dma_start3A_24 = arith.constant 0 : i32
    %dma_start3A_25 = tpu.memref_slice %arg2[%dma_start3A_23, %dma_start3A_24] : memref<10000x32xf32, #tpu.memory_space<hbm>> -> memref<10000x32xf32, #tpu.memory_space<hbm>>
    tpu.enqueue_indirect_dma source(%dma_start3A_25 : memref<10000x32xf32, #tpu.memory_space<hbm>>) target(%arg10 : memref<128x32xf32, #tpu.memory_space<vmem>>) offsets(%dma_start3A : memref<128xi32, #tpu.memory_space<vmem>>) semaphore(%arg19 : memref<!tpu.dma_semaphore, #tpu.memory_space<semaphore_mem>>)
    %dma_start3A_26 = tpu.memref_slice %arg9[%multiple_of3A_22] : memref<10112xi32, #tpu.memory_space<vmem>> -> memref<128xi32, #tpu.memory_space<vmem>>
    %dma_start3A_27 = arith.constant 0 : i32
    %dma_start3A_28 = arith.constant 0 : i32
    %dma_start3A_29 = tpu.memref_slice %arg2[%dma_start3A_27, %dma_start3A_28] : memref<10000x32xf32, #tpu.memory_space<hbm>> -> memref<10000x32xf32, #tpu.memory_space<hbm>>
    tpu.enqueue_indirect_dma source(%dma_start3A_29 : memref<10000x32xf32, #tpu.memory_space<hbm>>) target(%arg11 : memref<128x32xf32, #tpu.memory_space<vmem>>) offsets(%dma_start3A_26 : memref<128xi32, #tpu.memory_space<vmem>>) semaphore(%arg19 : memref<!tpu.dma_semaphore, #tpu.memory_space<semaphore_mem>>)
    %add3A_30 = arith.constant 1 : i32
    %add3A_31 = arith.addi %add3A_4, %add3A_30 : i32
    %jit3A_32 = arith.constant 2 : i32
    %div3A = arith.divsi %add3A_31, %jit3A_32 : i32
    %sign3A = arith.constant 0 : i32
    %sign3A_33 = arith.cmpi sgt, %add3A_31, %sign3A : i32
    %sign3A_34 = arith.extui %sign3A_33 : i1 to i32
    %sign3A_35 = arith.constant 0 : i32
    %sign3A_36 = arith.cmpi slt, %add3A_31, %sign3A_35 : i32
    %sign3A_37 = arith.extui %sign3A_36 : i1 to i32
    %sign3A_38 = arith.subi %sign3A_34, %sign3A_37 : i32
    %sign3A_39 = arith.constant 0 : i32
    %sign3A_40 = arith.cmpi sgt, %jit3A_32, %sign3A_39 : i32
    %sign3A_41 = arith.extui %sign3A_40 : i1 to i32
    %sign3A_42 = arith.constant 0 : i32
    %sign3A_43 = arith.cmpi slt, %jit3A_32, %sign3A_42 : i32
    %sign3A_44 = arith.extui %sign3A_43 : i1 to i32
    %sign3A_45 = arith.subi %sign3A_41, %sign3A_44 : i32
    %ne3A = arith.cmpi ne, %sign3A_38, %sign3A_45 : i32
    %rem3A = arith.remsi %add3A_31, %jit3A_32 : i32
    %ne3A_46 = arith.constant 0 : i32
    %ne3A_47 = arith.cmpi ne, %rem3A, %ne3A_46 : i32
    %and3A_48 = arith.andi %ne3A, %ne3A_47 : i1
    %sub3A = arith.constant 1 : i32
    %sub3A_49 = arith.subi %div3A, %sub3A : i32
    %select_n3A_50 = arith.select %and3A_48, %sub3A_49, %div3A : i32
    %while3A = arith.constant 0 : i32
    %while3A_51 = arith.constant 0 : i32
    %while3A_52 = arith.subi %select_n3A_50, %while3A_51 : i32
    %while3A_53 = arith.addi %while3A_51, %while3A_52 : i32
    %while3A_54 = arith.constant 1 : i32
    %while3A_55 = arith.divsi %while3A_52, %while3A_54 : i32
    %while3A_56 = arith.muli %while3A_55, %while3A_54 : i32
    %while3A_57 = arith.addi %while3A_51, %while3A_56 : i32
    %while3A_58 = arith.constant 1 : i32
    scf.for %while3A_135 = %while3A_51 to %while3A_57 step %while3A_58  : i32 {
      %mul3A_136 = arith.constant 2 : i32
      %mul3A_137 = arith.muli %mul3A_136, %while3A_135 : i32
      %add3A_138 = arith.constant 1 : i32
      %add3A_139 = arith.addi %mul3A_137, %add3A_138 : i32
      %lt3A_140 = arith.cmpi slt, %add3A_139, %add3A_4 : i32
      %convert_element_type3A_141 = arith.extui %lt3A_140 : i1 to i32
      %cond3A_142 = arith.constant 0 : i32
      %cond3A_143 = arith.cmpi ne, %convert_element_type3A_141, %cond3A_142 : i32
      scf.if %cond3A_143 {
        %mul3A_205 = arith.constant 128 : i32
        %mul3A_206 = arith.muli %add3A_139, %mul3A_205 : i32
        %multiple_of3A_207 = tpu.assume_multiple %mul3A_206, 8 : i32
        %dma_start3A_208 = tpu.memref_slice %arg8[%multiple_of3A_207] : memref<10112xi32, #tpu.memory_space<vmem>> -> memref<128xi32, #tpu.memory_space<vmem>>
        %dma_start3A_209 = arith.constant 0 : i32
        %dma_start3A_210 = arith.constant 0 : i32
        %dma_start3A_211 = tpu.memref_slice %arg2[%dma_start3A_209, %dma_start3A_210] : memref<10000x32xf32, #tpu.memory_space<hbm>> -> memref<10000x32xf32, #tpu.memory_space<hbm>>
        tpu.enqueue_indirect_dma source(%dma_start3A_211 : memref<10000x32xf32, #tpu.memory_space<hbm>>) target(%arg12 : memref<128x32xf32, #tpu.memory_space<vmem>>) offsets(%dma_start3A_208 : memref<128xi32, #tpu.memory_space<vmem>>) semaphore(%arg20 : memref<!tpu.dma_semaphore, #tpu.memory_space<semaphore_mem>>)
        %dma_start3A_212 = tpu.memref_slice %arg9[%multiple_of3A_207] : memref<10112xi32, #tpu.memory_space<vmem>> -> memref<128xi32, #tpu.memory_space<vmem>>
        %dma_start3A_213 = arith.constant 0 : i32
        %dma_start3A_214 = arith.constant 0 : i32
        %dma_start3A_215 = tpu.memref_slice %arg2[%dma_start3A_213, %dma_start3A_214] : memref<10000x32xf32, #tpu.memory_space<hbm>> -> memref<10000x32xf32, #tpu.memory_space<hbm>>
        tpu.enqueue_indirect_dma source(%dma_start3A_215 : memref<10000x32xf32, #tpu.memory_space<hbm>>) target(%arg13 : memref<128x32xf32, #tpu.memory_space<vmem>>) offsets(%dma_start3A_212 : memref<128xi32, #tpu.memory_space<vmem>>) semaphore(%arg20 : memref<!tpu.dma_semaphore, #tpu.memory_space<semaphore_mem>>)
      } else {
      }
      %dma_wait3A_144 = arith.constant 0 : i32
      %dma_wait3A_145 = arith.constant 0 : i32
      %dma_wait3A_146 = tpu.memref_slice %arg2[%dma_wait3A_144, %dma_wait3A_145] : memref<10000x32xf32, #tpu.memory_space<hbm>> -> memref<128x32xf32, #tpu.memory_space<hbm>>
      %dma_wait3A_147 = arith.constant 0 : i32
      %dma_wait3A_148 = arith.constant 0 : i32
      %dma_wait3A_149 = tpu.memref_slice %arg2[%dma_wait3A_147, %dma_wait3A_148] : memref<10000x32xf32, #tpu.memory_space<hbm>> -> memref<128x32xf32, #tpu.memory_space<hbm>>
      tpu.wait_dma2 semaphore(%arg19 : memref<!tpu.dma_semaphore, #tpu.memory_space<semaphore_mem>>) src(%dma_wait3A_149 : memref<128x32xf32, #tpu.memory_space<hbm>>) dst(%arg10 : memref<128x32xf32, #tpu.memory_space<vmem>>)
      %dma_wait3A_150 = arith.constant 0 : i32
      %dma_wait3A_151 = arith.constant 0 : i32
      %dma_wait3A_152 = tpu.memref_slice %arg2[%dma_wait3A_150, %dma_wait3A_151] : memref<10000x32xf32, #tpu.memory_space<hbm>> -> memref<128x32xf32, #tpu.memory_space<hbm>>
      %dma_wait3A_153 = arith.constant 0 : i32
      %dma_wait3A_154 = arith.constant 0 : i32
      %dma_wait3A_155 = tpu.memref_slice %arg2[%dma_wait3A_153, %dma_wait3A_154] : memref<10000x32xf32, #tpu.memory_space<hbm>> -> memref<128x32xf32, #tpu.memory_space<hbm>>
      tpu.wait_dma2 semaphore(%arg19 : memref<!tpu.dma_semaphore, #tpu.memory_space<semaphore_mem>>) src(%dma_wait3A_155 : memref<128x32xf32, #tpu.memory_space<hbm>>) dst(%arg11 : memref<128x32xf32, #tpu.memory_space<vmem>>)
      %ge3A = arith.constant 2 : i32
      %ge3A_156 = arith.cmpi sge, %mul3A_137, %ge3A : i32
      %convert_element_type3A_157 = arith.extui %ge3A_156 : i1 to i32
      %cond3A_158 = arith.constant 0 : i32
      %cond3A_159 = arith.cmpi ne, %convert_element_type3A_157, %cond3A_158 : i32
      scf.if %cond3A_159 {
        %dma_wait3A_205 = arith.constant 0 : i32
        %dma_wait3A_206 = arith.constant 0 : i32
        %dma_wait3A_207 = arith.constant 0 : i32
        %dma_wait3A_208 = arith.constant 0 : i32
        %dma_wait3A_209 = tpu.memref_slice %arg14[%dma_wait3A_206, %dma_wait3A_207, %dma_wait3A_208] : memref<2x8x129xf32, #tpu.memory_space<vmem>> -> memref<2x8x128xf32, #tpu.memory_space<vmem>>
        %dma_wait3A_210 = arith.constant 0 : i32
        %dma_wait3A_211 = arith.constant 0 : i32
        %dma_wait3A_212 = arith.constant 0 : i32
        %dma_wait3A_213 = tpu.memref_slice %arg6[%dma_wait3A_210, %dma_wait3A_205, %dma_wait3A_211, %dma_wait3A_212] : memref<2x2500x8x128xf32, #tpu.memory_space<hbm>> -> memref<2x1x8x128xf32, #tpu.memory_space<hbm>>
        %dma_wait3A_214 = tpu.memref_squeeze %dma_wait3A_213 : memref<2x1x8x128xf32, #tpu.memory_space<hbm>> -> memref<2x8x128xf32, #tpu.memory_space<hbm>>
        %dma_wait3A_215 = arith.constant 0 : i32
        %dma_wait3A_216 = arith.constant 0 : i32
        %dma_wait3A_217 = arith.constant 0 : i32
        %dma_wait3A_218 = tpu.memref_slice %arg14[%dma_wait3A_215, %dma_wait3A_216, %dma_wait3A_217] : memref<2x8x129xf32, #tpu.memory_space<vmem>> -> memref<2x8x128xf32, #tpu.memory_space<vmem>>
        %dma_wait3A_219 = arith.constant 0 : i32
        %dma_wait3A_220 = arith.constant 0 : i32
        %dma_wait3A_221 = arith.constant 0 : i32
        %dma_wait3A_222 = tpu.memref_slice %arg6[%dma_wait3A_219, %dma_wait3A_205, %dma_wait3A_220, %dma_wait3A_221] : memref<2x2500x8x128xf32, #tpu.memory_space<hbm>> -> memref<2x1x8x128xf32, #tpu.memory_space<hbm>>
        %dma_wait3A_223 = tpu.memref_squeeze %dma_wait3A_222 : memref<2x1x8x128xf32, #tpu.memory_space<hbm>> -> memref<2x8x128xf32, #tpu.memory_space<hbm>>
        tpu.wait_dma2 semaphore(%arg21 : memref<!tpu.dma_semaphore, #tpu.memory_space<semaphore_mem>>) src(%dma_wait3A_223 : memref<2x8x128xf32, #tpu.memory_space<hbm>>) dst(%dma_wait3A_218 : memref<2x8x128xf32, #tpu.memory_space<vmem>>)
        %dma_wait3A_224 = arith.constant 0 : i32
        %dma_wait3A_225 = arith.constant 0 : i32
        %dma_wait3A_226 = arith.constant 0 : i32
        %dma_wait3A_227 = arith.constant 0 : i32
        %dma_wait3A_228 = tpu.memref_slice %arg15[%dma_wait3A_225, %dma_wait3A_226, %dma_wait3A_227] : memref<2x8x129xf32, #tpu.memory_space<vmem>> -> memref<2x8x128xf32, #tpu.memory_space<vmem>>
        %dma_wait3A_229 = arith.constant 0 : i32
        %dma_wait3A_230 = arith.constant 0 : i32
        %dma_wait3A_231 = arith.constant 0 : i32
        %dma_wait3A_232 = tpu.memref_slice %arg7[%dma_wait3A_229, %dma_wait3A_224, %dma_wait3A_230, %dma_wait3A_231] : memref<2x2500x8x128xf32, #tpu.memory_space<hbm>> -> memref<2x1x8x128xf32, #tpu.memory_space<hbm>>
        %dma_wait3A_233 = tpu.memref_squeeze %dma_wait3A_232 : memref<2x1x8x128xf32, #tpu.memory_space<hbm>> -> memref<2x8x128xf32, #tpu.memory_space<hbm>>
        %dma_wait3A_234 = arith.constant 0 : i32
        %dma_wait3A_235 = arith.constant 0 : i32
        %dma_wait3A_236 = arith.constant 0 : i32
        %dma_wait3A_237 = tpu.memref_slice %arg15[%dma_wait3A_234, %dma_wait3A_235, %dma_wait3A_236] : memref<2x8x129xf32, #tpu.memory_space<vmem>> -> memref<2x8x128xf32, #tpu.memory_space<vmem>>
        %dma_wait3A_238 = arith.constant 0 : i32
        %dma_wait3A_239 = arith.constant 0 : i32
        %dma_wait3A_240 = arith.constant 0 : i32
        %dma_wait3A_241 = tpu.memref_slice %arg7[%dma_wait3A_238, %dma_wait3A_224, %dma_wait3A_239, %dma_wait3A_240] : memref<2x2500x8x128xf32, #tpu.memory_space<hbm>> -> memref<2x1x8x128xf32, #tpu.memory_space<hbm>>
        %dma_wait3A_242 = tpu.memref_squeeze %dma_wait3A_241 : memref<2x1x8x128xf32, #tpu.memory_space<hbm>> -> memref<2x8x128xf32, #tpu.memory_space<hbm>>
        tpu.wait_dma2 semaphore(%arg21 : memref<!tpu.dma_semaphore, #tpu.memory_space<semaphore_mem>>) src(%dma_wait3A_242 : memref<2x8x128xf32, #tpu.memory_space<hbm>>) dst(%dma_wait3A_237 : memref<2x8x128xf32, #tpu.memory_space<vmem>>)
      } else {
      }
      %broadcast_in_dim3A = arith.constant 0 : i32
      %broadcast_in_dim3A_160 = vector.broadcast %broadcast_in_dim3A : i32 to vector<16xi32>
      %parallel_loop3A = arith.constant 0 : i32
      %parallel_loop3A_161 = arith.constant 128 : i32
      %parallel_loop3A_162 = arith.constant 1 : i32
      %parallel_loop3A_163 = scf.for %parallel_loop3A_205 = %parallel_loop3A to %parallel_loop3A_161 step %parallel_loop3A_162 iter_args(%parallel_loop3A_206 = %broadcast_in_dim3A_160) -> (vector<16xi32>)  : i32 {
        %parallel_loop3A_207 = arith.index_cast %parallel_loop3A_205 : i32 to index
        %parallel_loop3A_208 = arith.constant 0 : index
        %parallel_loop3A_209 = tpu.vector_load %arg10[%parallel_loop3A_207, %parallel_loop3A_208] {strides = array<i32>} : memref<128x32xf32, #tpu.memory_space<vmem>>, vector<16xf32>,
        %parallel_loop3A_210 = arith.index_cast %parallel_loop3A_205 : i32 to index
        %parallel_loop3A_211 = arith.constant 0 : index
        %parallel_loop3A_212 = tpu.vector_load %arg11[%parallel_loop3A_210, %parallel_loop3A_211] {strides = array<i32>} : memref<128x32xf32, #tpu.memory_space<vmem>>, vector<16xf32>,
        %parallel_loop3A_213 = arith.subf %parallel_loop3A_209, %parallel_loop3A_212 : vector<16xf32>
        %parallel_loop3A_214 = arith.addf %parallel_loop3A_213, %get3A_14 : vector<16xf32>
        %parallel_loop3A_215 = arith.index_cast %parallel_loop3A_205 : i32 to index
        %parallel_loop3A_216 = arith.constant 16 : index
        %parallel_loop3A_217 = tpu.vector_load %arg10[%parallel_loop3A_215, %parallel_loop3A_216] {strides = array<i32>} : memref<128x32xf32, #tpu.memory_space<vmem>>, vector<16xf32>,
        %parallel_loop3A_218 = arith.index_cast %parallel_loop3A_205 : i32 to index
        %parallel_loop3A_219 = arith.constant 16 : index
        %parallel_loop3A_220 = tpu.vector_load %arg11[%parallel_loop3A_218, %parallel_loop3A_219] {strides = array<i32>} : memref<128x32xf32, #tpu.memory_space<vmem>>, vector<16xf32>,
        %parallel_loop3A_221 = arith.subf %parallel_loop3A_217, %parallel_loop3A_220 : vector<16xf32>
        %parallel_loop3A_222 = arith.addf %parallel_loop3A_221, %get3A_16 : vector<16xf32>
        tpu.vector_store_idx %arg14[%shift_right_arithmetic3A_18, %and3A_20, %parallel_loop3A_206], %parallel_loop3A_214 : memref<2x8x129xf32, #tpu.memory_space<vmem>>[vector<16xi32>, vector<16xi32>, vector<16xi32>], vector<16xf32>,
        tpu.vector_store_idx %arg15[%shift_right_arithmetic3A_18, %and3A_20, %parallel_loop3A_206], %parallel_loop3A_222 : memref<2x8x129xf32, #tpu.memory_space<vmem>>[vector<16xi32>, vector<16xi32>, vector<16xi32>], vector<16xf32>,
        %parallel_loop3A_223 = arith.constant 1 : i32
        %parallel_loop3A_224 = vector.broadcast %parallel_loop3A_223 : i32 to vector<16xi32>
        %parallel_loop3A_225 = arith.addi %parallel_loop3A_206, %parallel_loop3A_224 : vector<16xi32>
        scf.yield %parallel_loop3A_225 : vector<16xi32>
      } {sc.loop_unroll_factor = 8 : i64, sc.parallel_access}
      %add3A_164 = arith.addi %add3A_8, %mul3A_137 : i32
      %dma_start3A_165 = arith.constant 0 : i32
      %dma_start3A_166 = arith.constant 0 : i32
      %dma_start3A_167 = arith.constant 0 : i32
      %dma_start3A_168 = tpu.memref_slice %arg14[%dma_start3A_165, %dma_start3A_166, %dma_start3A_167] : memref<2x8x129xf32, #tpu.memory_space<vmem>> -> memref<2x8x128xf32, #tpu.memory_space<vmem>>
      %dma_start3A_169 = arith.constant 0 : i32
      %dma_start3A_170 = arith.constant 0 : i32
      %dma_start3A_171 = arith.constant 0 : i32
      %dma_start3A_172 = tpu.memref_slice %arg6[%dma_start3A_169, %add3A_164, %dma_start3A_170, %dma_start3A_171] : memref<2x2500x8x128xf32, #tpu.memory_space<hbm>> -> memref<2x1x8x128xf32, #tpu.memory_space<hbm>>
      %dma_start3A_173 = tpu.memref_squeeze %dma_start3A_172 : memref<2x1x8x128xf32, #tpu.memory_space<hbm>> -> memref<2x8x128xf32, #tpu.memory_space<hbm>>
      %dma_start3A_174 = arith.constant 0 : i32
      %dma_start3A_175 = arith.constant 0 : i32
      %dma_start3A_176 = arith.constant 0 : i32
      %dma_start3A_177 = tpu.memref_slice %arg6[%dma_start3A_174, %add3A_164, %dma_start3A_175, %dma_start3A_176] : memref<2x2500x8x128xf32, #tpu.memory_space<hbm>> -> memref<2x1x8x128xf32, #tpu.memory_space<hbm>>
      %dma_start3A_178 = tpu.memref_squeeze %dma_start3A_177 : memref<2x1x8x128xf32, #tpu.memory_space<hbm>> -> memref<2x8x128xf32, #tpu.memory_space<hbm>>
      %dma_start3A_179 = arith.constant 0 : i32
      %dma_start3A_180 = arith.constant 0 : i32
      %dma_start3A_181 = arith.constant 0 : i32
      %dma_start3A_182 = tpu.memref_slice %arg14[%dma_start3A_179, %dma_start3A_180, %dma_start3A_181] : memref<2x8x129xf32, #tpu.memory_space<vmem>> -> memref<2x8x128xf32, #tpu.memory_space<vmem>>
      tpu.enqueue_dma source(%dma_start3A_182 : memref<2x8x128xf32, #tpu.memory_space<vmem>>) target(%dma_start3A_178 : memref<2x8x128xf32, #tpu.memory_space<hbm>>) target_semaphore(%arg21 : memref<!tpu.dma_semaphore, #tpu.memory_space<semaphore_mem>>)
      %dma_start3A_183 = arith.constant 0 : i32
      %dma_start3A_184 = arith.constant 0 : i32
      %dma_start3A_185 = arith.constant 0 : i32
      %dma_start3A_186 = tpu.memref_slice %arg15[%dma_start3A_183, %dma_start3A_184, %dma_start3A_185] : memref<2x8x129xf32, #tpu.memory_space<vmem>> -> memref<2x8x128xf32, #tpu.memory_space<vmem>>
      %dma_start3A_187 = arith.constant 0 : i32
      %dma_start3A_188 = arith.constant 0 : i32
      %dma_start3A_189 = arith.constant 0 : i32
      %dma_start3A_190 = tpu.memref_slice %arg7[%dma_start3A_187, %add3A_164, %dma_start3A_188, %dma_start3A_189] : memref<2x2500x8x128xf32, #tpu.memory_space<hbm>> -> memref<2x1x8x128xf32, #tpu.memory_space<hbm>>
      %dma_start3A_191 = tpu.memref_squeeze %dma_start3A_190 : memref<2x1x8x128xf32, #tpu.memory_space<hbm>> -> memref<2x8x128xf32, #tpu.memory_space<hbm>>
      %dma_start3A_192 = arith.constant 0 : i32
      %dma_start3A_193 = arith.constant 0 : i32
      %dma_start3A_194 = arith.constant 0 : i32
      %dma_start3A_195 = tpu.memref_slice %arg7[%dma_start3A_192, %add3A_164, %dma_start3A_193, %dma_start3A_194] : memref<2x2500x8x128xf32, #tpu.memory_space<hbm>> -> memref<2x1x8x128xf32, #tpu.memory_space<hbm>>
      %dma_start3A_196 = tpu.memref_squeeze %dma_start3A_195 : memref<2x1x8x128xf32, #tpu.memory_space<hbm>> -> memref<2x8x128xf32, #tpu.memory_space<hbm>>
      %dma_start3A_197 = arith.constant 0 : i32
      %dma_start3A_198 = arith.constant 0 : i32
      %dma_start3A_199 = arith.constant 0 : i32
      %dma_start3A_200 = tpu.memref_slice %arg15[%dma_start3A_197, %dma_start3A_198, %dma_start3A_199] : memref<2x8x129xf32, #tpu.memory_space<vmem>> -> memref<2x8x128xf32, #tpu.memory_space<vmem>>
      tpu.enqueue_dma source(%dma_start3A_200 : memref<2x8x128xf32, #tpu.memory_space<vmem>>) target(%dma_start3A_196 : memref<2x8x128xf32, #tpu.memory_space<hbm>>) target_semaphore(%arg21 : memref<!tpu.dma_semaphore, #tpu.memory_space<semaphore_mem>>)
      %lt3A_201 = arith.cmpi slt, %add3A_139, %add3A_4 : i32
      %convert_element_type3A_202 = arith.extui %lt3A_201 : i1 to i32
      %cond3A_203 = arith.constant 0 : i32
      %cond3A_204 = arith.cmpi ne, %convert_element_type3A_202, %cond3A_203 : i32
      scf.if %cond3A_204 {
        %add3A_205 = arith.constant 1 : i32
        %add3A_206 = arith.addi %add3A_139, %add3A_205 : i32
        %lt3A_207 = arith.cmpi slt, %add3A_206, %add3A_4 : i32
        %convert_element_type3A_208 = arith.extui %lt3A_207 : i1 to i32
        %cond3A_209 = arith.constant 0 : i32
        %cond3A_210 = arith.cmpi ne, %convert_element_type3A_208, %cond3A_209 : i32
        scf.if %cond3A_210 {
          %add3A_271 = arith.constant 1 : i32
          %add3A_272 = arith.addi %add3A_139, %add3A_271 : i32
          %mul3A_273 = arith.constant 128 : i32
          %mul3A_274 = arith.muli %add3A_272, %mul3A_273 : i32
          %multiple_of3A_275 = tpu.assume_multiple %mul3A_274, 8 : i32
          %dma_start3A_276 = tpu.memref_slice %arg8[%multiple_of3A_275] : memref<10112xi32, #tpu.memory_space<vmem>> -> memref<128xi32, #tpu.memory_space<vmem>>
          %dma_start3A_277 = arith.constant 0 : i32
          %dma_start3A_278 = arith.constant 0 : i32
          %dma_start3A_279 = tpu.memref_slice %arg2[%dma_start3A_277, %dma_start3A_278] : memref<10000x32xf32, #tpu.memory_space<hbm>> -> memref<10000x32xf32, #tpu.memory_space<hbm>>
          tpu.enqueue_indirect_dma source(%dma_start3A_279 : memref<10000x32xf32, #tpu.memory_space<hbm>>) target(%arg10 : memref<128x32xf32, #tpu.memory_space<vmem>>) offsets(%dma_start3A_276 : memref<128xi32, #tpu.memory_space<vmem>>) semaphore(%arg19 : memref<!tpu.dma_semaphore, #tpu.memory_space<semaphore_mem>>)
          %dma_start3A_280 = tpu.memref_slice %arg9[%multiple_of3A_275] : memref<10112xi32, #tpu.memory_space<vmem>> -> memref<128xi32, #tpu.memory_space<vmem>>
          %dma_start3A_281 = arith.constant 0 : i32
          %dma_start3A_282 = arith.constant 0 : i32
          %dma_start3A_283 = tpu.memref_slice %arg2[%dma_start3A_281, %dma_start3A_282] : memref<10000x32xf32, #tpu.memory_space<hbm>> -> memref<10000x32xf32, #tpu.memory_space<hbm>>
          tpu.enqueue_indirect_dma source(%dma_start3A_283 : memref<10000x32xf32, #tpu.memory_space<hbm>>) target(%arg11 : memref<128x32xf32, #tpu.memory_space<vmem>>) offsets(%dma_start3A_280 : memref<128xi32, #tpu.memory_space<vmem>>) semaphore(%arg19 : memref<!tpu.dma_semaphore, #tpu.memory_space<semaphore_mem>>)
        } else {
        }
        %dma_wait3A_211 = arith.constant 0 : i32
        %dma_wait3A_212 = arith.constant 0 : i32
        %dma_wait3A_213 = tpu.memref_slice %arg2[%dma_wait3A_211, %dma_wait3A_212] : memref<10000x32xf32, #tpu.memory_space<hbm>> -> memref<128x32xf32, #tpu.memory_space<hbm>>
        %dma_wait3A_214 = arith.constant 0 : i32
        %dma_wait3A_215 = arith.constant 0 : i32
        %dma_wait3A_216 = tpu.memref_slice %arg2[%dma_wait3A_214, %dma_wait3A_215] : memref<10000x32xf32, #tpu.memory_space<hbm>> -> memref<128x32xf32, #tpu.memory_space<hbm>>
        tpu.wait_dma2 semaphore(%arg20 : memref<!tpu.dma_semaphore, #tpu.memory_space<semaphore_mem>>) src(%dma_wait3A_216 : memref<128x32xf32, #tpu.memory_space<hbm>>) dst(%arg12 : memref<128x32xf32, #tpu.memory_space<vmem>>)
        %dma_wait3A_217 = arith.constant 0 : i32
        %dma_wait3A_218 = arith.constant 0 : i32
        %dma_wait3A_219 = tpu.memref_slice %arg2[%dma_wait3A_217, %dma_wait3A_218] : memref<10000x32xf32, #tpu.memory_space<hbm>> -> memref<128x32xf32, #tpu.memory_space<hbm>>
        %dma_wait3A_220 = arith.constant 0 : i32
        %dma_wait3A_221 = arith.constant 0 : i32
        %dma_wait3A_222 = tpu.memref_slice %arg2[%dma_wait3A_220, %dma_wait3A_221] : memref<10000x32xf32, #tpu.memory_space<hbm>> -> memref<128x32xf32, #tpu.memory_space<hbm>>
        tpu.wait_dma2 semaphore(%arg20 : memref<!tpu.dma_semaphore, #tpu.memory_space<semaphore_mem>>) src(%dma_wait3A_222 : memref<128x32xf32, #tpu.memory_space<hbm>>) dst(%arg13 : memref<128x32xf32, #tpu.memory_space<vmem>>)
        %ge3A_223 = arith.constant 2 : i32
        %ge3A_224 = arith.cmpi sge, %add3A_139, %ge3A_223 : i32
        %convert_element_type3A_225 = arith.extui %ge3A_224 : i1 to i32
        %cond3A_226 = arith.constant 0 : i32
        %cond3A_227 = arith.cmpi ne, %convert_element_type3A_225, %cond3A_226 : i32
        scf.if %cond3A_227 {
          %dma_wait3A_271 = arith.constant 0 : i32
          %dma_wait3A_272 = arith.constant 0 : i32
          %dma_wait3A_273 = arith.constant 0 : i32
          %dma_wait3A_274 = arith.constant 0 : i32
          %dma_wait3A_275 = tpu.memref_slice %arg16[%dma_wait3A_272, %dma_wait3A_273, %dma_wait3A_274] : memref<2x8x129xf32, #tpu.memory_space<vmem>> -> memref<2x8x128xf32, #tpu.memory_space<vmem>>
          %dma_wait3A_276 = arith.constant 0 : i32
          %dma_wait3A_277 = arith.constant 0 : i32
          %dma_wait3A_278 = arith.constant 0 : i32
          %dma_wait3A_279 = tpu.memref_slice %arg6[%dma_wait3A_276, %dma_wait3A_271, %dma_wait3A_277, %dma_wait3A_278] : memref<2x2500x8x128xf32, #tpu.memory_space<hbm>> -> memref<2x1x8x128xf32, #tpu.memory_space<hbm>>
          %dma_wait3A_280 = tpu.memref_squeeze %dma_wait3A_279 : memref<2x1x8x128xf32, #tpu.memory_space<hbm>> -> memref<2x8x128xf32, #tpu.memory_space<hbm>>
          %dma_wait3A_281 = arith.constant 0 : i32
          %dma_wait3A_282 = arith.constant 0 : i32
          %dma_wait3A_283 = arith.constant 0 : i32
          %dma_wait3A_284 = tpu.memref_slice %arg16[%dma_wait3A_281, %dma_wait3A_282, %dma_wait3A_283] : memref<2x8x129xf32, #tpu.memory_space<vmem>> -> memref<2x8x128xf32, #tpu.memory_space<vmem>>
          %dma_wait3A_285 = arith.constant 0 : i32
          %dma_wait3A_286 = arith.constant 0 : i32
          %dma_wait3A_287 = arith.constant 0 : i32
          %dma_wait3A_288 = tpu.memref_slice %arg6[%dma_wait3A_285, %dma_wait3A_271, %dma_wait3A_286, %dma_wait3A_287] : memref<2x2500x8x128xf32, #tpu.memory_space<hbm>> -> memref<2x1x8x128xf32, #tpu.memory_space<hbm>>
          %dma_wait3A_289 = tpu.memref_squeeze %dma_wait3A_288 : memref<2x1x8x128xf32, #tpu.memory_space<hbm>> -> memref<2x8x128xf32, #tpu.memory_space<hbm>>
          tpu.wait_dma2 semaphore(%arg22 : memref<!tpu.dma_semaphore, #tpu.memory_space<semaphore_mem>>) src(%dma_wait3A_289 : memref<2x8x128xf32, #tpu.memory_space<hbm>>) dst(%dma_wait3A_284 : memref<2x8x128xf32, #tpu.memory_space<vmem>>)
          %dma_wait3A_290 = arith.constant 0 : i32
          %dma_wait3A_291 = arith.constant 0 : i32
          %dma_wait3A_292 = arith.constant 0 : i32
          %dma_wait3A_293 = arith.constant 0 : i32
          %dma_wait3A_294 = tpu.memref_slice %arg17[%dma_wait3A_291, %dma_wait3A_292, %dma_wait3A_293] : memref<2x8x129xf32, #tpu.memory_space<vmem>> -> memref<2x8x128xf32, #tpu.memory_space<vmem>>
          %dma_wait3A_295 = arith.constant 0 : i32
          %dma_wait3A_296 = arith.constant 0 : i32
          %dma_wait3A_297 = arith.constant 0 : i32
          %dma_wait3A_298 = tpu.memref_slice %arg7[%dma_wait3A_295, %dma_wait3A_290, %dma_wait3A_296, %dma_wait3A_297] : memref<2x2500x8x128xf32, #tpu.memory_space<hbm>> -> memref<2x1x8x128xf32, #tpu.memory_space<hbm>>
          %dma_wait3A_299 = tpu.memref_squeeze %dma_wait3A_298 : memref<2x1x8x128xf32, #tpu.memory_space<hbm>> -> memref<2x8x128xf32, #tpu.memory_space<hbm>>
          %dma_wait3A_300 = arith.constant 0 : i32
          %dma_wait3A_301 = arith.constant 0 : i32
          %dma_wait3A_302 = arith.constant 0 : i32
          %dma_wait3A_303 = tpu.memref_slice %arg17[%dma_wait3A_300, %dma_wait3A_301, %dma_wait3A_302] : memref<2x8x129xf32, #tpu.memory_space<vmem>> -> memref<2x8x128xf32, #tpu.memory_space<vmem>>
          %dma_wait3A_304 = arith.constant 0 : i32
          %dma_wait3A_305 = arith.constant 0 : i32
          %dma_wait3A_306 = arith.constant 0 : i32
          %dma_wait3A_307 = tpu.memref_slice %arg7[%dma_wait3A_304, %dma_wait3A_290, %dma_wait3A_305, %dma_wait3A_306] : memref<2x2500x8x128xf32, #tpu.memory_space<hbm>> -> memref<2x1x8x128xf32, #tpu.memory_space<hbm>>
          %dma_wait3A_308 = tpu.memref_squeeze %dma_wait3A_307 : memref<2x1x8x128xf32, #tpu.memory_space<hbm>> -> memref<2x8x128xf32, #tpu.memory_space<hbm>>
          tpu.wait_dma2 semaphore(%arg22 : memref<!tpu.dma_semaphore, #tpu.memory_space<semaphore_mem>>) src(%dma_wait3A_308 : memref<2x8x128xf32, #tpu.memory_space<hbm>>) dst(%dma_wait3A_303 : memref<2x8x128xf32, #tpu.memory_space<vmem>>)
        } else {
        }
        %broadcast_in_dim3A_228 = arith.constant 0 : i32
        %broadcast_in_dim3A_229 = vector.broadcast %broadcast_in_dim3A_228 : i32 to vector<16xi32>
        %parallel_loop3A_230 = arith.constant 0 : i32
        %parallel_loop3A_231 = arith.constant 128 : i32
        %parallel_loop3A_232 = arith.constant 1 : i32
        %parallel_loop3A_233 = scf.for %parallel_loop3A_271 = %parallel_loop3A_230 to %parallel_loop3A_231 step %parallel_loop3A_232 iter_args(%parallel_loop3A_272 = %broadcast_in_dim3A_229) -> (vector<16xi32>)  : i32 {
          %parallel_loop3A_273 = arith.index_cast %parallel_loop3A_271 : i32 to index
          %parallel_loop3A_274 = arith.constant 0 : index
          %parallel_loop3A_275 = tpu.vector_load %arg12[%parallel_loop3A_273, %parallel_loop3A_274] {strides = array<i32>} : memref<128x32xf32, #tpu.memory_space<vmem>>, vector<16xf32>,
          %parallel_loop3A_276 = arith.index_cast %parallel_loop3A_271 : i32 to index
          %parallel_loop3A_277 = arith.constant 0 : index
          %parallel_loop3A_278 = tpu.vector_load %arg13[%parallel_loop3A_276, %parallel_loop3A_277] {strides = array<i32>} : memref<128x32xf32, #tpu.memory_space<vmem>>, vector<16xf32>,
          %parallel_loop3A_279 = arith.subf %parallel_loop3A_275, %parallel_loop3A_278 : vector<16xf32>
          %parallel_loop3A_280 = arith.addf %parallel_loop3A_279, %get3A_14 : vector<16xf32>
          %parallel_loop3A_281 = arith.index_cast %parallel_loop3A_271 : i32 to index
          %parallel_loop3A_282 = arith.constant 16 : index
          %parallel_loop3A_283 = tpu.vector_load %arg12[%parallel_loop3A_281, %parallel_loop3A_282] {strides = array<i32>} : memref<128x32xf32, #tpu.memory_space<vmem>>, vector<16xf32>,
          %parallel_loop3A_284 = arith.index_cast %parallel_loop3A_271 : i32 to index
          %parallel_loop3A_285 = arith.constant 16 : index
          %parallel_loop3A_286 = tpu.vector_load %arg13[%parallel_loop3A_284, %parallel_loop3A_285] {strides = array<i32>} : memref<128x32xf32, #tpu.memory_space<vmem>>, vector<16xf32>,
          %parallel_loop3A_287 = arith.subf %parallel_loop3A_283, %parallel_loop3A_286 : vector<16xf32>
          %parallel_loop3A_288 = arith.addf %parallel_loop3A_287, %get3A_16 : vector<16xf32>
          tpu.vector_store_idx %arg16[%shift_right_arithmetic3A_18, %and3A_20, %parallel_loop3A_272], %parallel_loop3A_280 : memref<2x8x129xf32, #tpu.memory_space<vmem>>[vector<16xi32>, vector<16xi32>, vector<16xi32>], vector<16xf32>,
          tpu.vector_store_idx %arg17[%shift_right_arithmetic3A_18, %and3A_20, %parallel_loop3A_272], %parallel_loop3A_288 : memref<2x8x129xf32, #tpu.memory_space<vmem>>[vector<16xi32>, vector<16xi32>, vector<16xi32>], vector<16xf32>,
          %parallel_loop3A_289 = arith.constant 1 : i32
          %parallel_loop3A_290 = vector.broadcast %parallel_loop3A_289 : i32 to vector<16xi32>
          %parallel_loop3A_291 = arith.addi %parallel_loop3A_272, %parallel_loop3A_290 : vector<16xi32>
          scf.yield %parallel_loop3A_291 : vector<16xi32>
        } {sc.loop_unroll_factor = 8 : i64, sc.parallel_access}
        %add3A_234 = arith.addi %add3A_8, %add3A_139 : i32
        %dma_start3A_235 = arith.constant 0 : i32
        %dma_start3A_236 = arith.constant 0 : i32
        %dma_start3A_237 = arith.constant 0 : i32
        %dma_start3A_238 = tpu.memref_slice %arg16[%dma_start3A_235, %dma_start3A_236, %dma_start3A_237] : memref<2x8x129xf32, #tpu.memory_space<vmem>> -> memref<2x8x128xf32, #tpu.memory_space<vmem>>
        %dma_start3A_239 = arith.constant 0 : i32
        %dma_start3A_240 = arith.constant 0 : i32
        %dma_start3A_241 = arith.constant 0 : i32
        %dma_start3A_242 = tpu.memref_slice %arg6[%dma_start3A_239, %add3A_234, %dma_start3A_240, %dma_start3A_241] : memref<2x2500x8x128xf32, #tpu.memory_space<hbm>> -> memref<2x1x8x128xf32, #tpu.memory_space<hbm>>
        %dma_start3A_243 = tpu.memref_squeeze %dma_start3A_242 : memref<2x1x8x128xf32, #tpu.memory_space<hbm>> -> memref<2x8x128xf32, #tpu.memory_space<hbm>>
        %dma_start3A_244 = arith.constant 0 : i32
        %dma_start3A_245 = arith.constant 0 : i32
        %dma_start3A_246 = arith.constant 0 : i32
        %dma_start3A_247 = tpu.memref_slice %arg6[%dma_start3A_244, %add3A_234, %dma_start3A_245, %dma_start3A_246] : memref<2x2500x8x128xf32, #tpu.memory_space<hbm>> -> memref<2x1x8x128xf32, #tpu.memory_space<hbm>>
        %dma_start3A_248 = tpu.memref_squeeze %dma_start3A_247 : memref<2x1x8x128xf32, #tpu.memory_space<hbm>> -> memref<2x8x128xf32, #tpu.memory_space<hbm>>
        %dma_start3A_249 = arith.constant 0 : i32
        %dma_start3A_250 = arith.constant 0 : i32
        %dma_start3A_251 = arith.constant 0 : i32
        %dma_start3A_252 = tpu.memref_slice %arg16[%dma_start3A_249, %dma_start3A_250, %dma_start3A_251] : memref<2x8x129xf32, #tpu.memory_space<vmem>> -> memref<2x8x128xf32, #tpu.memory_space<vmem>>
        tpu.enqueue_dma source(%dma_start3A_252 : memref<2x8x128xf32, #tpu.memory_space<vmem>>) target(%dma_start3A_248 : memref<2x8x128xf32, #tpu.memory_space<hbm>>) target_semaphore(%arg22 : memref<!tpu.dma_semaphore, #tpu.memory_space<semaphore_mem>>)
        %dma_start3A_253 = arith.constant 0 : i32
        %dma_start3A_254 = arith.constant 0 : i32
        %dma_start3A_255 = arith.constant 0 : i32
        %dma_start3A_256 = tpu.memref_slice %arg17[%dma_start3A_253, %dma_start3A_254, %dma_start3A_255] : memref<2x8x129xf32, #tpu.memory_space<vmem>> -> memref<2x8x128xf32, #tpu.memory_space<vmem>>
        %dma_start3A_257 = arith.constant 0 : i32
        %dma_start3A_258 = arith.constant 0 : i32
        %dma_start3A_259 = arith.constant 0 : i32
        %dma_start3A_260 = tpu.memref_slice %arg7[%dma_start3A_257, %add3A_234, %dma_start3A_258, %dma_start3A_259] : memref<2x2500x8x128xf32, #tpu.memory_space<hbm>> -> memref<2x1x8x128xf32, #tpu.memory_space<hbm>>
        %dma_start3A_261 = tpu.memref_squeeze %dma_start3A_260 : memref<2x1x8x128xf32, #tpu.memory_space<hbm>> -> memref<2x8x128xf32, #tpu.memory_space<hbm>>
        %dma_start3A_262 = arith.constant 0 : i32
        %dma_start3A_263 = arith.constant 0 : i32
        %dma_start3A_264 = arith.constant 0 : i32
        %dma_start3A_265 = tpu.memref_slice %arg7[%dma_start3A_262, %add3A_234, %dma_start3A_263, %dma_start3A_264] : memref<2x2500x8x128xf32, #tpu.memory_space<hbm>> -> memref<2x1x8x128xf32, #tpu.memory_space<hbm>>
        %dma_start3A_266 = tpu.memref_squeeze %dma_start3A_265 : memref<2x1x8x128xf32, #tpu.memory_space<hbm>> -> memref<2x8x128xf32, #tpu.memory_space<hbm>>
        %dma_start3A_267 = arith.constant 0 : i32
        %dma_start3A_268 = arith.constant 0 : i32
        %dma_start3A_269 = arith.constant 0 : i32
        %dma_start3A_270 = tpu.memref_slice %arg17[%dma_start3A_267, %dma_start3A_268, %dma_start3A_269] : memref<2x8x129xf32, #tpu.memory_space<vmem>> -> memref<2x8x128xf32, #tpu.memory_space<vmem>>
        tpu.enqueue_dma source(%dma_start3A_270 : memref<2x8x128xf32, #tpu.memory_space<vmem>>) target(%dma_start3A_266 : memref<2x8x128xf32, #tpu.memory_space<hbm>>) target_semaphore(%arg22 : memref<!tpu.dma_semaphore, #tpu.memory_space<semaphore_mem>>)
      } else {
      }
    }
    %while3A_59 = arith.constant 1 : i32
    scf.for %while3A_135 = %while3A_57 to %while3A_53 step %while3A_59  : i32 {
      %mul3A_136 = arith.constant 2 : i32
      %mul3A_137 = arith.muli %mul3A_136, %while3A_135 : i32
      %add3A_138 = arith.constant 1 : i32
      %add3A_139 = arith.addi %mul3A_137, %add3A_138 : i32
      %lt3A_140 = arith.cmpi slt, %add3A_139, %add3A_4 : i32
      %convert_element_type3A_141 = arith.extui %lt3A_140 : i1 to i32
      %cond3A_142 = arith.constant 0 : i32
      %cond3A_143 = arith.cmpi ne, %convert_element_type3A_141, %cond3A_142 : i32
      scf.if %cond3A_143 {
        %mul3A_205 = arith.constant 128 : i32
        %mul3A_206 = arith.muli %add3A_139, %mul3A_205 : i32
        %multiple_of3A_207 = tpu.assume_multiple %mul3A_206, 8 : i32
        %dma_start3A_208 = tpu.memref_slice %arg8[%multiple_of3A_207] : memref<10112xi32, #tpu.memory_space<vmem>> -> memref<128xi32, #tpu.memory_space<vmem>>
        %dma_start3A_209 = arith.constant 0 : i32
        %dma_start3A_210 = arith.constant 0 : i32
        %dma_start3A_211 = tpu.memref_slice %arg2[%dma_start3A_209, %dma_start3A_210] : memref<10000x32xf32, #tpu.memory_space<hbm>> -> memref<10000x32xf32, #tpu.memory_space<hbm>>
        tpu.enqueue_indirect_dma source(%dma_start3A_211 : memref<10000x32xf32, #tpu.memory_space<hbm>>) target(%arg12 : memref<128x32xf32, #tpu.memory_space<vmem>>) offsets(%dma_start3A_208 : memref<128xi32, #tpu.memory_space<vmem>>) semaphore(%arg20 : memref<!tpu.dma_semaphore, #tpu.memory_space<semaphore_mem>>)
        %dma_start3A_212 = tpu.memref_slice %arg9[%multiple_of3A_207] : memref<10112xi32, #tpu.memory_space<vmem>> -> memref<128xi32, #tpu.memory_space<vmem>>
        %dma_start3A_213 = arith.constant 0 : i32
        %dma_start3A_214 = arith.constant 0 : i32
        %dma_start3A_215 = tpu.memref_slice %arg2[%dma_start3A_213, %dma_start3A_214] : memref<10000x32xf32, #tpu.memory_space<hbm>> -> memref<10000x32xf32, #tpu.memory_space<hbm>>
        tpu.enqueue_indirect_dma source(%dma_start3A_215 : memref<10000x32xf32, #tpu.memory_space<hbm>>) target(%arg13 : memref<128x32xf32, #tpu.memory_space<vmem>>) offsets(%dma_start3A_212 : memref<128xi32, #tpu.memory_space<vmem>>) semaphore(%arg20 : memref<!tpu.dma_semaphore, #tpu.memory_space<semaphore_mem>>)
      } else {
      }
      %dma_wait3A_144 = arith.constant 0 : i32
      %dma_wait3A_145 = arith.constant 0 : i32
      %dma_wait3A_146 = tpu.memref_slice %arg2[%dma_wait3A_144, %dma_wait3A_145] : memref<10000x32xf32, #tpu.memory_space<hbm>> -> memref<128x32xf32, #tpu.memory_space<hbm>>
      %dma_wait3A_147 = arith.constant 0 : i32
      %dma_wait3A_148 = arith.constant 0 : i32
      %dma_wait3A_149 = tpu.memref_slice %arg2[%dma_wait3A_147, %dma_wait3A_148] : memref<10000x32xf32, #tpu.memory_space<hbm>> -> memref<128x32xf32, #tpu.memory_space<hbm>>
      tpu.wait_dma2 semaphore(%arg19 : memref<!tpu.dma_semaphore, #tpu.memory_space<semaphore_mem>>) src(%dma_wait3A_149 : memref<128x32xf32, #tpu.memory_space<hbm>>) dst(%arg10 : memref<128x32xf32, #tpu.memory_space<vmem>>)
      %dma_wait3A_150 = arith.constant 0 : i32
      %dma_wait3A_151 = arith.constant 0 : i32
      %dma_wait3A_152 = tpu.memref_slice %arg2[%dma_wait3A_150, %dma_wait3A_151] : memref<10000x32xf32, #tpu.memory_space<hbm>> -> memref<128x32xf32, #tpu.memory_space<hbm>>
      %dma_wait3A_153 = arith.constant 0 : i32
      %dma_wait3A_154 = arith.constant 0 : i32
      %dma_wait3A_155 = tpu.memref_slice %arg2[%dma_wait3A_153, %dma_wait3A_154] : memref<10000x32xf32, #tpu.memory_space<hbm>> -> memref<128x32xf32, #tpu.memory_space<hbm>>
      tpu.wait_dma2 semaphore(%arg19 : memref<!tpu.dma_semaphore, #tpu.memory_space<semaphore_mem>>) src(%dma_wait3A_155 : memref<128x32xf32, #tpu.memory_space<hbm>>) dst(%arg11 : memref<128x32xf32, #tpu.memory_space<vmem>>)
      %ge3A = arith.constant 2 : i32
      %ge3A_156 = arith.cmpi sge, %mul3A_137, %ge3A : i32
      %convert_element_type3A_157 = arith.extui %ge3A_156 : i1 to i32
      %cond3A_158 = arith.constant 0 : i32
      %cond3A_159 = arith.cmpi ne, %convert_element_type3A_157, %cond3A_158 : i32
      scf.if %cond3A_159 {
        %dma_wait3A_205 = arith.constant 0 : i32
        %dma_wait3A_206 = arith.constant 0 : i32
        %dma_wait3A_207 = arith.constant 0 : i32
        %dma_wait3A_208 = arith.constant 0 : i32
        %dma_wait3A_209 = tpu.memref_slice %arg14[%dma_wait3A_206, %dma_wait3A_207, %dma_wait3A_208] : memref<2x8x129xf32, #tpu.memory_space<vmem>> -> memref<2x8x128xf32, #tpu.memory_space<vmem>>
        %dma_wait3A_210 = arith.constant 0 : i32
        %dma_wait3A_211 = arith.constant 0 : i32
        %dma_wait3A_212 = arith.constant 0 : i32
        %dma_wait3A_213 = tpu.memref_slice %arg6[%dma_wait3A_210, %dma_wait3A_205, %dma_wait3A_211, %dma_wait3A_212] : memref<2x2500x8x128xf32, #tpu.memory_space<hbm>> -> memref<2x1x8x128xf32, #tpu.memory_space<hbm>>
        %dma_wait3A_214 = tpu.memref_squeeze %dma_wait3A_213 : memref<2x1x8x128xf32, #tpu.memory_space<hbm>> -> memref<2x8x128xf32, #tpu.memory_space<hbm>>
        %dma_wait3A_215 = arith.constant 0 : i32
        %dma_wait3A_216 = arith.constant 0 : i32
        %dma_wait3A_217 = arith.constant 0 : i32
        %dma_wait3A_218 = tpu.memref_slice %arg14[%dma_wait3A_215, %dma_wait3A_216, %dma_wait3A_217] : memref<2x8x129xf32, #tpu.memory_space<vmem>> -> memref<2x8x128xf32, #tpu.memory_space<vmem>>
        %dma_wait3A_219 = arith.constant 0 : i32
        %dma_wait3A_220 = arith.constant 0 : i32
        %dma_wait3A_221 = arith.constant 0 : i32
        %dma_wait3A_222 = tpu.memref_slice %arg6[%dma_wait3A_219, %dma_wait3A_205, %dma_wait3A_220, %dma_wait3A_221] : memref<2x2500x8x128xf32, #tpu.memory_space<hbm>> -> memref<2x1x8x128xf32, #tpu.memory_space<hbm>>
        %dma_wait3A_223 = tpu.memref_squeeze %dma_wait3A_222 : memref<2x1x8x128xf32, #tpu.memory_space<hbm>> -> memref<2x8x128xf32, #tpu.memory_space<hbm>>
        tpu.wait_dma2 semaphore(%arg21 : memref<!tpu.dma_semaphore, #tpu.memory_space<semaphore_mem>>) src(%dma_wait3A_223 : memref<2x8x128xf32, #tpu.memory_space<hbm>>) dst(%dma_wait3A_218 : memref<2x8x128xf32, #tpu.memory_space<vmem>>)
        %dma_wait3A_224 = arith.constant 0 : i32
        %dma_wait3A_225 = arith.constant 0 : i32
        %dma_wait3A_226 = arith.constant 0 : i32
        %dma_wait3A_227 = arith.constant 0 : i32
        %dma_wait3A_228 = tpu.memref_slice %arg15[%dma_wait3A_225, %dma_wait3A_226, %dma_wait3A_227] : memref<2x8x129xf32, #tpu.memory_space<vmem>> -> memref<2x8x128xf32, #tpu.memory_space<vmem>>
        %dma_wait3A_229 = arith.constant 0 : i32
        %dma_wait3A_230 = arith.constant 0 : i32
        %dma_wait3A_231 = arith.constant 0 : i32
        %dma_wait3A_232 = tpu.memref_slice %arg7[%dma_wait3A_229, %dma_wait3A_224, %dma_wait3A_230, %dma_wait3A_231] : memref<2x2500x8x128xf32, #tpu.memory_space<hbm>> -> memref<2x1x8x128xf32, #tpu.memory_space<hbm>>
        %dma_wait3A_233 = tpu.memref_squeeze %dma_wait3A_232 : memref<2x1x8x128xf32, #tpu.memory_space<hbm>> -> memref<2x8x128xf32, #tpu.memory_space<hbm>>
        %dma_wait3A_234 = arith.constant 0 : i32
        %dma_wait3A_235 = arith.constant 0 : i32
        %dma_wait3A_236 = arith.constant 0 : i32
        %dma_wait3A_237 = tpu.memref_slice %arg15[%dma_wait3A_234, %dma_wait3A_235, %dma_wait3A_236] : memref<2x8x129xf32, #tpu.memory_space<vmem>> -> memref<2x8x128xf32, #tpu.memory_space<vmem>>
        %dma_wait3A_238 = arith.constant 0 : i32
        %dma_wait3A_239 = arith.constant 0 : i32
        %dma_wait3A_240 = arith.constant 0 : i32
        %dma_wait3A_241 = tpu.memref_slice %arg7[%dma_wait3A_238, %dma_wait3A_224, %dma_wait3A_239, %dma_wait3A_240] : memref<2x2500x8x128xf32, #tpu.memory_space<hbm>> -> memref<2x1x8x128xf32, #tpu.memory_space<hbm>>
        %dma_wait3A_242 = tpu.memref_squeeze %dma_wait3A_241 : memref<2x1x8x128xf32, #tpu.memory_space<hbm>> -> memref<2x8x128xf32, #tpu.memory_space<hbm>>
        tpu.wait_dma2 semaphore(%arg21 : memref<!tpu.dma_semaphore, #tpu.memory_space<semaphore_mem>>) src(%dma_wait3A_242 : memref<2x8x128xf32, #tpu.memory_space<hbm>>) dst(%dma_wait3A_237 : memref<2x8x128xf32, #tpu.memory_space<vmem>>)
      } else {
      }
      %broadcast_in_dim3A = arith.constant 0 : i32
      %broadcast_in_dim3A_160 = vector.broadcast %broadcast_in_dim3A : i32 to vector<16xi32>
      %parallel_loop3A = arith.constant 0 : i32
      %parallel_loop3A_161 = arith.constant 128 : i32
      %parallel_loop3A_162 = arith.constant 1 : i32
      %parallel_loop3A_163 = scf.for %parallel_loop3A_205 = %parallel_loop3A to %parallel_loop3A_161 step %parallel_loop3A_162 iter_args(%parallel_loop3A_206 = %broadcast_in_dim3A_160) -> (vector<16xi32>)  : i32 {
        %parallel_loop3A_207 = arith.index_cast %parallel_loop3A_205 : i32 to index
        %parallel_loop3A_208 = arith.constant 0 : index
        %parallel_loop3A_209 = tpu.vector_load %arg10[%parallel_loop3A_207, %parallel_loop3A_208] {strides = array<i32>} : memref<128x32xf32, #tpu.memory_space<vmem>>, vector<16xf32>,
        %parallel_loop3A_210 = arith.index_cast %parallel_loop3A_205 : i32 to index
        %parallel_loop3A_211 = arith.constant 0 : index
        %parallel_loop3A_212 = tpu.vector_load %arg11[%parallel_loop3A_210, %parallel_loop3A_211] {strides = array<i32>} : memref<128x32xf32, #tpu.memory_space<vmem>>, vector<16xf32>,
        %parallel_loop3A_213 = arith.subf %parallel_loop3A_209, %parallel_loop3A_212 : vector<16xf32>
        %parallel_loop3A_214 = arith.addf %parallel_loop3A_213, %get3A_14 : vector<16xf32>
        %parallel_loop3A_215 = arith.index_cast %parallel_loop3A_205 : i32 to index
        %parallel_loop3A_216 = arith.constant 16 : index
        %parallel_loop3A_217 = tpu.vector_load %arg10[%parallel_loop3A_215, %parallel_loop3A_216] {strides = array<i32>} : memref<128x32xf32, #tpu.memory_space<vmem>>, vector<16xf32>,
        %parallel_loop3A_218 = arith.index_cast %parallel_loop3A_205 : i32 to index
        %parallel_loop3A_219 = arith.constant 16 : index
        %parallel_loop3A_220 = tpu.vector_load %arg11[%parallel_loop3A_218, %parallel_loop3A_219] {strides = array<i32>} : memref<128x32xf32, #tpu.memory_space<vmem>>, vector<16xf32>,
        %parallel_loop3A_221 = arith.subf %parallel_loop3A_217, %parallel_loop3A_220 : vector<16xf32>
        %parallel_loop3A_222 = arith.addf %parallel_loop3A_221, %get3A_16 : vector<16xf32>
        tpu.vector_store_idx %arg14[%shift_right_arithmetic3A_18, %and3A_20, %parallel_loop3A_206], %parallel_loop3A_214 : memref<2x8x129xf32, #tpu.memory_space<vmem>>[vector<16xi32>, vector<16xi32>, vector<16xi32>], vector<16xf32>,
        tpu.vector_store_idx %arg15[%shift_right_arithmetic3A_18, %and3A_20, %parallel_loop3A_206], %parallel_loop3A_222 : memref<2x8x129xf32, #tpu.memory_space<vmem>>[vector<16xi32>, vector<16xi32>, vector<16xi32>], vector<16xf32>,
        %parallel_loop3A_223 = arith.constant 1 : i32
        %parallel_loop3A_224 = vector.broadcast %parallel_loop3A_223 : i32 to vector<16xi32>
        %parallel_loop3A_225 = arith.addi %parallel_loop3A_206, %parallel_loop3A_224 : vector<16xi32>
        scf.yield %parallel_loop3A_225 : vector<16xi32>
      } {sc.loop_unroll_factor = 8 : i64, sc.parallel_access}
      %add3A_164 = arith.addi %add3A_8, %mul3A_137 : i32
      %dma_start3A_165 = arith.constant 0 : i32
      %dma_start3A_166 = arith.constant 0 : i32
      %dma_start3A_167 = arith.constant 0 : i32
      %dma_start3A_168 = tpu.memref_slice %arg14[%dma_start3A_165, %dma_start3A_166, %dma_start3A_167] : memref<2x8x129xf32, #tpu.memory_space<vmem>> -> memref<2x8x128xf32, #tpu.memory_space<vmem>>
      %dma_start3A_169 = arith.constant 0 : i32
      %dma_start3A_170 = arith.constant 0 : i32
      %dma_start3A_171 = arith.constant 0 : i32
      %dma_start3A_172 = tpu.memref_slice %arg6[%dma_start3A_169, %add3A_164, %dma_start3A_170, %dma_start3A_171] : memref<2x2500x8x128xf32, #tpu.memory_space<hbm>> -> memref<2x1x8x128xf32, #tpu.memory_space<hbm>>
      %dma_start3A_173 = tpu.memref_squeeze %dma_start3A_172 : memref<2x1x8x128xf32, #tpu.memory_space<hbm>> -> memref<2x8x128xf32, #tpu.memory_space<hbm>>
      %dma_start3A_174 = arith.constant 0 : i32
      %dma_start3A_175 = arith.constant 0 : i32
      %dma_start3A_176 = arith.constant 0 : i32
      %dma_start3A_177 = tpu.memref_slice %arg6[%dma_start3A_174, %add3A_164, %dma_start3A_175, %dma_start3A_176] : memref<2x2500x8x128xf32, #tpu.memory_space<hbm>> -> memref<2x1x8x128xf32, #tpu.memory_space<hbm>>
      %dma_start3A_178 = tpu.memref_squeeze %dma_start3A_177 : memref<2x1x8x128xf32, #tpu.memory_space<hbm>> -> memref<2x8x128xf32, #tpu.memory_space<hbm>>
      %dma_start3A_179 = arith.constant 0 : i32
      %dma_start3A_180 = arith.constant 0 : i32
      %dma_start3A_181 = arith.constant 0 : i32
      %dma_start3A_182 = tpu.memref_slice %arg14[%dma_start3A_179, %dma_start3A_180, %dma_start3A_181] : memref<2x8x129xf32, #tpu.memory_space<vmem>> -> memref<2x8x128xf32, #tpu.memory_space<vmem>>
      tpu.enqueue_dma source(%dma_start3A_182 : memref<2x8x128xf32, #tpu.memory_space<vmem>>) target(%dma_start3A_178 : memref<2x8x128xf32, #tpu.memory_space<hbm>>) target_semaphore(%arg21 : memref<!tpu.dma_semaphore, #tpu.memory_space<semaphore_mem>>)
      %dma_start3A_183 = arith.constant 0 : i32
      %dma_start3A_184 = arith.constant 0 : i32
      %dma_start3A_185 = arith.constant 0 : i32
      %dma_start3A_186 = tpu.memref_slice %arg15[%dma_start3A_183, %dma_start3A_184, %dma_start3A_185] : memref<2x8x129xf32, #tpu.memory_space<vmem>> -> memref<2x8x128xf32, #tpu.memory_space<vmem>>
      %dma_start3A_187 = arith.constant 0 : i32
      %dma_start3A_188 = arith.constant 0 : i32
      %dma_start3A_189 = arith.constant 0 : i32
      %dma_start3A_190 = tpu.memref_slice %arg7[%dma_start3A_187, %add3A_164, %dma_start3A_188, %dma_start3A_189] : memref<2x2500x8x128xf32, #tpu.memory_space<hbm>> -> memref<2x1x8x128xf32, #tpu.memory_space<hbm>>
      %dma_start3A_191 = tpu.memref_squeeze %dma_start3A_190 : memref<2x1x8x128xf32, #tpu.memory_space<hbm>> -> memref<2x8x128xf32, #tpu.memory_space<hbm>>
      %dma_start3A_192 = arith.constant 0 : i32
      %dma_start3A_193 = arith.constant 0 : i32
      %dma_start3A_194 = arith.constant 0 : i32
      %dma_start3A_195 = tpu.memref_slice %arg7[%dma_start3A_192, %add3A_164, %dma_start3A_193, %dma_start3A_194] : memref<2x2500x8x128xf32, #tpu.memory_space<hbm>> -> memref<2x1x8x128xf32, #tpu.memory_space<hbm>>
      %dma_start3A_196 = tpu.memref_squeeze %dma_start3A_195 : memref<2x1x8x128xf32, #tpu.memory_space<hbm>> -> memref<2x8x128xf32, #tpu.memory_space<hbm>>
      %dma_start3A_197 = arith.constant 0 : i32
      %dma_start3A_198 = arith.constant 0 : i32
      %dma_start3A_199 = arith.constant 0 : i32
      %dma_start3A_200 = tpu.memref_slice %arg15[%dma_start3A_197, %dma_start3A_198, %dma_start3A_199] : memref<2x8x129xf32, #tpu.memory_space<vmem>> -> memref<2x8x128xf32, #tpu.memory_space<vmem>>
      tpu.enqueue_dma source(%dma_start3A_200 : memref<2x8x128xf32, #tpu.memory_space<vmem>>) target(%dma_start3A_196 : memref<2x8x128xf32, #tpu.memory_space<hbm>>) target_semaphore(%arg21 : memref<!tpu.dma_semaphore, #tpu.memory_space<semaphore_mem>>)
      %lt3A_201 = arith.cmpi slt, %add3A_139, %add3A_4 : i32
      %convert_element_type3A_202 = arith.extui %lt3A_201 : i1 to i32
      %cond3A_203 = arith.constant 0 : i32
      %cond3A_204 = arith.cmpi ne, %convert_element_type3A_202, %cond3A_203 : i32
      scf.if %cond3A_204 {
        %add3A_205 = arith.constant 1 : i32
        %add3A_206 = arith.addi %add3A_139, %add3A_205 : i32
        %lt3A_207 = arith.cmpi slt, %add3A_206, %add3A_4 : i32
        %convert_element_type3A_208 = arith.extui %lt3A_207 : i1 to i32
        %cond3A_209 = arith.constant 0 : i32
        %cond3A_210 = arith.cmpi ne, %convert_element_type3A_208, %cond3A_209 : i32
        scf.if %cond3A_210 {
          %add3A_271 = arith.constant 1 : i32
          %add3A_272 = arith.addi %add3A_139, %add3A_271 : i32
          %mul3A_273 = arith.constant 128 : i32
          %mul3A_274 = arith.muli %add3A_272, %mul3A_273 : i32
          %multiple_of3A_275 = tpu.assume_multiple %mul3A_274, 8 : i32
          %dma_start3A_276 = tpu.memref_slice %arg8[%multiple_of3A_275] : memref<10112xi32, #tpu.memory_space<vmem>> -> memref<128xi32, #tpu.memory_space<vmem>>
          %dma_start3A_277 = arith.constant 0 : i32
          %dma_start3A_278 = arith.constant 0 : i32
          %dma_start3A_279 = tpu.memref_slice %arg2[%dma_start3A_277, %dma_start3A_278] : memref<10000x32xf32, #tpu.memory_space<hbm>> -> memref<10000x32xf32, #tpu.memory_space<hbm>>
          tpu.enqueue_indirect_dma source(%dma_start3A_279 : memref<10000x32xf32, #tpu.memory_space<hbm>>) target(%arg10 : memref<128x32xf32, #tpu.memory_space<vmem>>) offsets(%dma_start3A_276 : memref<128xi32, #tpu.memory_space<vmem>>) semaphore(%arg19 : memref<!tpu.dma_semaphore, #tpu.memory_space<semaphore_mem>>)
          %dma_start3A_280 = tpu.memref_slice %arg9[%multiple_of3A_275] : memref<10112xi32, #tpu.memory_space<vmem>> -> memref<128xi32, #tpu.memory_space<vmem>>
          %dma_start3A_281 = arith.constant 0 : i32
          %dma_start3A_282 = arith.constant 0 : i32
          %dma_start3A_283 = tpu.memref_slice %arg2[%dma_start3A_281, %dma_start3A_282] : memref<10000x32xf32, #tpu.memory_space<hbm>> -> memref<10000x32xf32, #tpu.memory_space<hbm>>
          tpu.enqueue_indirect_dma source(%dma_start3A_283 : memref<10000x32xf32, #tpu.memory_space<hbm>>) target(%arg11 : memref<128x32xf32, #tpu.memory_space<vmem>>) offsets(%dma_start3A_280 : memref<128xi32, #tpu.memory_space<vmem>>) semaphore(%arg19 : memref<!tpu.dma_semaphore, #tpu.memory_space<semaphore_mem>>)
        } else {
        }
        %dma_wait3A_211 = arith.constant 0 : i32
        %dma_wait3A_212 = arith.constant 0 : i32
        %dma_wait3A_213 = tpu.memref_slice %arg2[%dma_wait3A_211, %dma_wait3A_212] : memref<10000x32xf32, #tpu.memory_space<hbm>> -> memref<128x32xf32, #tpu.memory_space<hbm>>
        %dma_wait3A_214 = arith.constant 0 : i32
        %dma_wait3A_215 = arith.constant 0 : i32
        %dma_wait3A_216 = tpu.memref_slice %arg2[%dma_wait3A_214, %dma_wait3A_215] : memref<10000x32xf32, #tpu.memory_space<hbm>> -> memref<128x32xf32, #tpu.memory_space<hbm>>
        tpu.wait_dma2 semaphore(%arg20 : memref<!tpu.dma_semaphore, #tpu.memory_space<semaphore_mem>>) src(%dma_wait3A_216 : memref<128x32xf32, #tpu.memory_space<hbm>>) dst(%arg12 : memref<128x32xf32, #tpu.memory_space<vmem>>)
        %dma_wait3A_217 = arith.constant 0 : i32
        %dma_wait3A_218 = arith.constant 0 : i32
        %dma_wait3A_219 = tpu.memref_slice %arg2[%dma_wait3A_217, %dma_wait3A_218] : memref<10000x32xf32, #tpu.memory_space<hbm>> -> memref<128x32xf32, #tpu.memory_space<hbm>>
        %dma_wait3A_220 = arith.constant 0 : i32
        %dma_wait3A_221 = arith.constant 0 : i32
        %dma_wait3A_222 = tpu.memref_slice %arg2[%dma_wait3A_220, %dma_wait3A_221] : memref<10000x32xf32, #tpu.memory_space<hbm>> -> memref<128x32xf32, #tpu.memory_space<hbm>>
        tpu.wait_dma2 semaphore(%arg20 : memref<!tpu.dma_semaphore, #tpu.memory_space<semaphore_mem>>) src(%dma_wait3A_222 : memref<128x32xf32, #tpu.memory_space<hbm>>) dst(%arg13 : memref<128x32xf32, #tpu.memory_space<vmem>>)
        %ge3A_223 = arith.constant 2 : i32
        %ge3A_224 = arith.cmpi sge, %add3A_139, %ge3A_223 : i32
        %convert_element_type3A_225 = arith.extui %ge3A_224 : i1 to i32
        %cond3A_226 = arith.constant 0 : i32
        %cond3A_227 = arith.cmpi ne, %convert_element_type3A_225, %cond3A_226 : i32
        scf.if %cond3A_227 {
          %dma_wait3A_271 = arith.constant 0 : i32
          %dma_wait3A_272 = arith.constant 0 : i32
          %dma_wait3A_273 = arith.constant 0 : i32
          %dma_wait3A_274 = arith.constant 0 : i32
          %dma_wait3A_275 = tpu.memref_slice %arg16[%dma_wait3A_272, %dma_wait3A_273, %dma_wait3A_274] : memref<2x8x129xf32, #tpu.memory_space<vmem>> -> memref<2x8x128xf32, #tpu.memory_space<vmem>>
          %dma_wait3A_276 = arith.constant 0 : i32
          %dma_wait3A_277 = arith.constant 0 : i32
          %dma_wait3A_278 = arith.constant 0 : i32
          %dma_wait3A_279 = tpu.memref_slice %arg6[%dma_wait3A_276, %dma_wait3A_271, %dma_wait3A_277, %dma_wait3A_278] : memref<2x2500x8x128xf32, #tpu.memory_space<hbm>> -> memref<2x1x8x128xf32, #tpu.memory_space<hbm>>
          %dma_wait3A_280 = tpu.memref_squeeze %dma_wait3A_279 : memref<2x1x8x128xf32, #tpu.memory_space<hbm>> -> memref<2x8x128xf32, #tpu.memory_space<hbm>>
          %dma_wait3A_281 = arith.constant 0 : i32
          %dma_wait3A_282 = arith.constant 0 : i32
          %dma_wait3A_283 = arith.constant 0 : i32
          %dma_wait3A_284 = tpu.memref_slice %arg16[%dma_wait3A_281, %dma_wait3A_282, %dma_wait3A_283] : memref<2x8x129xf32, #tpu.memory_space<vmem>> -> memref<2x8x128xf32, #tpu.memory_space<vmem>>
          %dma_wait3A_285 = arith.constant 0 : i32
          %dma_wait3A_286 = arith.constant 0 : i32
          %dma_wait3A_287 = arith.constant 0 : i32
          %dma_wait3A_288 = tpu.memref_slice %arg6[%dma_wait3A_285, %dma_wait3A_271, %dma_wait3A_286, %dma_wait3A_287] : memref<2x2500x8x128xf32, #tpu.memory_space<hbm>> -> memref<2x1x8x128xf32, #tpu.memory_space<hbm>>
          %dma_wait3A_289 = tpu.memref_squeeze %dma_wait3A_288 : memref<2x1x8x128xf32, #tpu.memory_space<hbm>> -> memref<2x8x128xf32, #tpu.memory_space<hbm>>
          tpu.wait_dma2 semaphore(%arg22 : memref<!tpu.dma_semaphore, #tpu.memory_space<semaphore_mem>>) src(%dma_wait3A_289 : memref<2x8x128xf32, #tpu.memory_space<hbm>>) dst(%dma_wait3A_284 : memref<2x8x128xf32, #tpu.memory_space<vmem>>)
          %dma_wait3A_290 = arith.constant 0 : i32
          %dma_wait3A_291 = arith.constant 0 : i32
          %dma_wait3A_292 = arith.constant 0 : i32
          %dma_wait3A_293 = arith.constant 0 : i32
          %dma_wait3A_294 = tpu.memref_slice %arg17[%dma_wait3A_291, %dma_wait3A_292, %dma_wait3A_293] : memref<2x8x129xf32, #tpu.memory_space<vmem>> -> memref<2x8x128xf32, #tpu.memory_space<vmem>>
          %dma_wait3A_295 = arith.constant 0 : i32
          %dma_wait3A_296 = arith.constant 0 : i32
          %dma_wait3A_297 = arith.constant 0 : i32
          %dma_wait3A_298 = tpu.memref_slice %arg7[%dma_wait3A_295, %dma_wait3A_290, %dma_wait3A_296, %dma_wait3A_297] : memref<2x2500x8x128xf32, #tpu.memory_space<hbm>> -> memref<2x1x8x128xf32, #tpu.memory_space<hbm>>
          %dma_wait3A_299 = tpu.memref_squeeze %dma_wait3A_298 : memref<2x1x8x128xf32, #tpu.memory_space<hbm>> -> memref<2x8x128xf32, #tpu.memory_space<hbm>>
          %dma_wait3A_300 = arith.constant 0 : i32
          %dma_wait3A_301 = arith.constant 0 : i32
          %dma_wait3A_302 = arith.constant 0 : i32
          %dma_wait3A_303 = tpu.memref_slice %arg17[%dma_wait3A_300, %dma_wait3A_301, %dma_wait3A_302] : memref<2x8x129xf32, #tpu.memory_space<vmem>> -> memref<2x8x128xf32, #tpu.memory_space<vmem>>
          %dma_wait3A_304 = arith.constant 0 : i32
          %dma_wait3A_305 = arith.constant 0 : i32
          %dma_wait3A_306 = arith.constant 0 : i32
          %dma_wait3A_307 = tpu.memref_slice %arg7[%dma_wait3A_304, %dma_wait3A_290, %dma_wait3A_305, %dma_wait3A_306] : memref<2x2500x8x128xf32, #tpu.memory_space<hbm>> -> memref<2x1x8x128xf32, #tpu.memory_space<hbm>>
          %dma_wait3A_308 = tpu.memref_squeeze %dma_wait3A_307 : memref<2x1x8x128xf32, #tpu.memory_space<hbm>> -> memref<2x8x128xf32, #tpu.memory_space<hbm>>
          tpu.wait_dma2 semaphore(%arg22 : memref<!tpu.dma_semaphore, #tpu.memory_space<semaphore_mem>>) src(%dma_wait3A_308 : memref<2x8x128xf32, #tpu.memory_space<hbm>>) dst(%dma_wait3A_303 : memref<2x8x128xf32, #tpu.memory_space<vmem>>)
        } else {
        }
        %broadcast_in_dim3A_228 = arith.constant 0 : i32
        %broadcast_in_dim3A_229 = vector.broadcast %broadcast_in_dim3A_228 : i32 to vector<16xi32>
        %parallel_loop3A_230 = arith.constant 0 : i32
        %parallel_loop3A_231 = arith.constant 128 : i32
        %parallel_loop3A_232 = arith.constant 1 : i32
        %parallel_loop3A_233 = scf.for %parallel_loop3A_271 = %parallel_loop3A_230 to %parallel_loop3A_231 step %parallel_loop3A_232 iter_args(%parallel_loop3A_272 = %broadcast_in_dim3A_229) -> (vector<16xi32>)  : i32 {
          %parallel_loop3A_273 = arith.index_cast %parallel_loop3A_271 : i32 to index
          %parallel_loop3A_274 = arith.constant 0 : index
          %parallel_loop3A_275 = tpu.vector_load %arg12[%parallel_loop3A_273, %parallel_loop3A_274] {strides = array<i32>} : memref<128x32xf32, #tpu.memory_space<vmem>>, vector<16xf32>,
          %parallel_loop3A_276 = arith.index_cast %parallel_loop3A_271 : i32 to index
          %parallel_loop3A_277 = arith.constant 0 : index
          %parallel_loop3A_278 = tpu.vector_load %arg13[%parallel_loop3A_276, %parallel_loop3A_277] {strides = array<i32>} : memref<128x32xf32, #tpu.memory_space<vmem>>, vector<16xf32>,
          %parallel_loop3A_279 = arith.subf %parallel_loop3A_275, %parallel_loop3A_278 : vector<16xf32>
          %parallel_loop3A_280 = arith.addf %parallel_loop3A_279, %get3A_14 : vector<16xf32>
          %parallel_loop3A_281 = arith.index_cast %parallel_loop3A_271 : i32 to index
          %parallel_loop3A_282 = arith.constant 16 : index
          %parallel_loop3A_283 = tpu.vector_load %arg12[%parallel_loop3A_281, %parallel_loop3A_282] {strides = array<i32>} : memref<128x32xf32, #tpu.memory_space<vmem>>, vector<16xf32>,
          %parallel_loop3A_284 = arith.index_cast %parallel_loop3A_271 : i32 to index
          %parallel_loop3A_285 = arith.constant 16 : index
          %parallel_loop3A_286 = tpu.vector_load %arg13[%parallel_loop3A_284, %parallel_loop3A_285] {strides = array<i32>} : memref<128x32xf32, #tpu.memory_space<vmem>>, vector<16xf32>,
          %parallel_loop3A_287 = arith.subf %parallel_loop3A_283, %parallel_loop3A_286 : vector<16xf32>
          %parallel_loop3A_288 = arith.addf %parallel_loop3A_287, %get3A_16 : vector<16xf32>
          tpu.vector_store_idx %arg16[%shift_right_arithmetic3A_18, %and3A_20, %parallel_loop3A_272], %parallel_loop3A_280 : memref<2x8x129xf32, #tpu.memory_space<vmem>>[vector<16xi32>, vector<16xi32>, vector<16xi32>], vector<16xf32>,
          tpu.vector_store_idx %arg17[%shift_right_arithmetic3A_18, %and3A_20, %parallel_loop3A_272], %parallel_loop3A_288 : memref<2x8x129xf32, #tpu.memory_space<vmem>>[vector<16xi32>, vector<16xi32>, vector<16xi32>], vector<16xf32>,
          %parallel_loop3A_289 = arith.constant 1 : i32
          %parallel_loop3A_290 = vector.broadcast %parallel_loop3A_289 : i32 to vector<16xi32>
          %parallel_loop3A_291 = arith.addi %parallel_loop3A_272, %parallel_loop3A_290 : vector<16xi32>
          scf.yield %parallel_loop3A_291 : vector<16xi32>
        } {sc.loop_unroll_factor = 8 : i64, sc.parallel_access}
        %add3A_234 = arith.addi %add3A_8, %add3A_139 : i32
        %dma_start3A_235 = arith.constant 0 : i32
        %dma_start3A_236 = arith.constant 0 : i32
        %dma_start3A_237 = arith.constant 0 : i32
        %dma_start3A_238 = tpu.memref_slice %arg16[%dma_start3A_235, %dma_start3A_236, %dma_start3A_237] : memref<2x8x129xf32, #tpu.memory_space<vmem>> -> memref<2x8x128xf32, #tpu.memory_space<vmem>>
        %dma_start3A_239 = arith.constant 0 : i32
        %dma_start3A_240 = arith.constant 0 : i32
        %dma_start3A_241 = arith.constant 0 : i32
        %dma_start3A_242 = tpu.memref_slice %arg6[%dma_start3A_239, %add3A_234, %dma_start3A_240, %dma_start3A_241] : memref<2x2500x8x128xf32, #tpu.memory_space<hbm>> -> memref<2x1x8x128xf32, #tpu.memory_space<hbm>>
        %dma_start3A_243 = tpu.memref_squeeze %dma_start3A_242 : memref<2x1x8x128xf32, #tpu.memory_space<hbm>> -> memref<2x8x128xf32, #tpu.memory_space<hbm>>
        %dma_start3A_244 = arith.constant 0 : i32
        %dma_start3A_245 = arith.constant 0 : i32
        %dma_start3A_246 = arith.constant 0 : i32
        %dma_start3A_247 = tpu.memref_slice %arg6[%dma_start3A_244, %add3A_234, %dma_start3A_245, %dma_start3A_246] : memref<2x2500x8x128xf32, #tpu.memory_space<hbm>> -> memref<2x1x8x128xf32, #tpu.memory_space<hbm>>
        %dma_start3A_248 = tpu.memref_squeeze %dma_start3A_247 : memref<2x1x8x128xf32, #tpu.memory_space<hbm>> -> memref<2x8x128xf32, #tpu.memory_space<hbm>>
        %dma_start3A_249 = arith.constant 0 : i32
        %dma_start3A_250 = arith.constant 0 : i32
        %dma_start3A_251 = arith.constant 0 : i32
        %dma_start3A_252 = tpu.memref_slice %arg16[%dma_start3A_249, %dma_start3A_250, %dma_start3A_251] : memref<2x8x129xf32, #tpu.memory_space<vmem>> -> memref<2x8x128xf32, #tpu.memory_space<vmem>>
        tpu.enqueue_dma source(%dma_start3A_252 : memref<2x8x128xf32, #tpu.memory_space<vmem>>) target(%dma_start3A_248 : memref<2x8x128xf32, #tpu.memory_space<hbm>>) target_semaphore(%arg22 : memref<!tpu.dma_semaphore, #tpu.memory_space<semaphore_mem>>)
        %dma_start3A_253 = arith.constant 0 : i32
        %dma_start3A_254 = arith.constant 0 : i32
        %dma_start3A_255 = arith.constant 0 : i32
        %dma_start3A_256 = tpu.memref_slice %arg17[%dma_start3A_253, %dma_start3A_254, %dma_start3A_255] : memref<2x8x129xf32, #tpu.memory_space<vmem>> -> memref<2x8x128xf32, #tpu.memory_space<vmem>>
        %dma_start3A_257 = arith.constant 0 : i32
        %dma_start3A_258 = arith.constant 0 : i32
        %dma_start3A_259 = arith.constant 0 : i32
        %dma_start3A_260 = tpu.memref_slice %arg7[%dma_start3A_257, %add3A_234, %dma_start3A_258, %dma_start3A_259] : memref<2x2500x8x128xf32, #tpu.memory_space<hbm>> -> memref<2x1x8x128xf32, #tpu.memory_space<hbm>>
        %dma_start3A_261 = tpu.memref_squeeze %dma_start3A_260 : memref<2x1x8x128xf32, #tpu.memory_space<hbm>> -> memref<2x8x128xf32, #tpu.memory_space<hbm>>
        %dma_start3A_262 = arith.constant 0 : i32
        %dma_start3A_263 = arith.constant 0 : i32
        %dma_start3A_264 = arith.constant 0 : i32
        %dma_start3A_265 = tpu.memref_slice %arg7[%dma_start3A_262, %add3A_234, %dma_start3A_263, %dma_start3A_264] : memref<2x2500x8x128xf32, #tpu.memory_space<hbm>> -> memref<2x1x8x128xf32, #tpu.memory_space<hbm>>
        %dma_start3A_266 = tpu.memref_squeeze %dma_start3A_265 : memref<2x1x8x128xf32, #tpu.memory_space<hbm>> -> memref<2x8x128xf32, #tpu.memory_space<hbm>>
        %dma_start3A_267 = arith.constant 0 : i32
        %dma_start3A_268 = arith.constant 0 : i32
        %dma_start3A_269 = arith.constant 0 : i32
        %dma_start3A_270 = tpu.memref_slice %arg17[%dma_start3A_267, %dma_start3A_268, %dma_start3A_269] : memref<2x8x129xf32, #tpu.memory_space<vmem>> -> memref<2x8x128xf32, #tpu.memory_space<vmem>>
        tpu.enqueue_dma source(%dma_start3A_270 : memref<2x8x128xf32, #tpu.memory_space<vmem>>) target(%dma_start3A_266 : memref<2x8x128xf32, #tpu.memory_space<hbm>>) target_semaphore(%arg22 : memref<!tpu.dma_semaphore, #tpu.memory_space<semaphore_mem>>)
      } else {
      }
    }
    %dma_wait3A = arith.constant 0 : i32
    %dma_wait3A_60 = arith.constant 0 : i32
    %dma_wait3A_61 = arith.constant 0 : i32
    %dma_wait3A_62 = arith.constant 0 : i32
    %dma_wait3A_63 = tpu.memref_slice %arg14[%dma_wait3A_60, %dma_wait3A_61, %dma_wait3A_62] : memref<2x8x129xf32, #tpu.memory_space<vmem>> -> memref<2x8x128xf32, #tpu.memory_space<vmem>>
    %dma_wait3A_64 = arith.constant 0 : i32
    %dma_wait3A_65 = arith.constant 0 : i32
    %dma_wait3A_66 = arith.constant 0 : i32
    %dma_wait3A_67 = tpu.memref_slice %arg6[%dma_wait3A_64, %dma_wait3A, %dma_wait3A_65, %dma_wait3A_66] : memref<2x2500x8x128xf32, #tpu.memory_space<hbm>> -> memref<2x1x8x128xf32, #tpu.memory_space<hbm>>
    %dma_wait3A_68 = tpu.memref_squeeze %dma_wait3A_67 : memref<2x1x8x128xf32, #tpu.memory_space<hbm>> -> memref<2x8x128xf32, #tpu.memory_space<hbm>>
    %dma_wait3A_69 = arith.constant 0 : i32
    %dma_wait3A_70 = arith.constant 0 : i32
    %dma_wait3A_71 = arith.constant 0 : i32
    %dma_wait3A_72 = tpu.memref_slice %arg14[%dma_wait3A_69, %dma_wait3A_70, %dma_wait3A_71] : memref<2x8x129xf32, #tpu.memory_space<vmem>> -> memref<2x8x128xf32, #tpu.memory_space<vmem>>
    %dma_wait3A_73 = arith.constant 0 : i32
    %dma_wait3A_74 = arith.constant 0 : i32
    %dma_wait3A_75 = arith.constant 0 : i32
    %dma_wait3A_76 = tpu.memref_slice %arg6[%dma_wait3A_73, %dma_wait3A, %dma_wait3A_74, %dma_wait3A_75] : memref<2x2500x8x128xf32, #tpu.memory_space<hbm>> -> memref<2x1x8x128xf32, #tpu.memory_space<hbm>>
    %dma_wait3A_77 = tpu.memref_squeeze %dma_wait3A_76 : memref<2x1x8x128xf32, #tpu.memory_space<hbm>> -> memref<2x8x128xf32, #tpu.memory_space<hbm>>
    tpu.wait_dma2 semaphore(%arg21 : memref<!tpu.dma_semaphore, #tpu.memory_space<semaphore_mem>>) src(%dma_wait3A_77 : memref<2x8x128xf32, #tpu.memory_space<hbm>>) dst(%dma_wait3A_72 : memref<2x8x128xf32, #tpu.memory_space<vmem>>)
    %dma_wait3A_78 = arith.constant 0 : i32
    %dma_wait3A_79 = arith.constant 0 : i32
    %dma_wait3A_80 = arith.constant 0 : i32
    %dma_wait3A_81 = arith.constant 0 : i32
    %dma_wait3A_82 = tpu.memref_slice %arg15[%dma_wait3A_79, %dma_wait3A_80, %dma_wait3A_81] : memref<2x8x129xf32, #tpu.memory_space<vmem>> -> memref<2x8x128xf32, #tpu.memory_space<vmem>>
    %dma_wait3A_83 = arith.constant 0 : i32
    %dma_wait3A_84 = arith.constant 0 : i32
    %dma_wait3A_85 = arith.constant 0 : i32
    %dma_wait3A_86 = tpu.memref_slice %arg7[%dma_wait3A_83, %dma_wait3A_78, %dma_wait3A_84, %dma_wait3A_85] : memref<2x2500x8x128xf32, #tpu.memory_space<hbm>> -> memref<2x1x8x128xf32, #tpu.memory_space<hbm>>
    %dma_wait3A_87 = tpu.memref_squeeze %dma_wait3A_86 : memref<2x1x8x128xf32, #tpu.memory_space<hbm>> -> memref<2x8x128xf32, #tpu.memory_space<hbm>>
    %dma_wait3A_88 = arith.constant 0 : i32
    %dma_wait3A_89 = arith.constant 0 : i32
    %dma_wait3A_90 = arith.constant 0 : i32
    %dma_wait3A_91 = tpu.memref_slice %arg15[%dma_wait3A_88, %dma_wait3A_89, %dma_wait3A_90] : memref<2x8x129xf32, #tpu.memory_space<vmem>> -> memref<2x8x128xf32, #tpu.memory_space<vmem>>
    %dma_wait3A_92 = arith.constant 0 : i32
    %dma_wait3A_93 = arith.constant 0 : i32
    %dma_wait3A_94 = arith.constant 0 : i32
    %dma_wait3A_95 = tpu.memref_slice %arg7[%dma_wait3A_92, %dma_wait3A_78, %dma_wait3A_93, %dma_wait3A_94] : memref<2x2500x8x128xf32, #tpu.memory_space<hbm>> -> memref<2x1x8x128xf32, #tpu.memory_space<hbm>>
    %dma_wait3A_96 = tpu.memref_squeeze %dma_wait3A_95 : memref<2x1x8x128xf32, #tpu.memory_space<hbm>> -> memref<2x8x128xf32, #tpu.memory_space<hbm>>
    tpu.wait_dma2 semaphore(%arg21 : memref<!tpu.dma_semaphore, #tpu.memory_space<semaphore_mem>>) src(%dma_wait3A_96 : memref<2x8x128xf32, #tpu.memory_space<hbm>>) dst(%dma_wait3A_91 : memref<2x8x128xf32, #tpu.memory_space<vmem>>)
    %dma_wait3A_97 = arith.constant 0 : i32
    %dma_wait3A_98 = arith.constant 0 : i32
    %dma_wait3A_99 = arith.constant 0 : i32
    %dma_wait3A_100 = arith.constant 0 : i32
    %dma_wait3A_101 = tpu.memref_slice %arg16[%dma_wait3A_98, %dma_wait3A_99, %dma_wait3A_100] : memref<2x8x129xf32, #tpu.memory_space<vmem>> -> memref<2x8x128xf32, #tpu.memory_space<vmem>>
    %dma_wait3A_102 = arith.constant 0 : i32
    %dma_wait3A_103 = arith.constant 0 : i32
    %dma_wait3A_104 = arith.constant 0 : i32
    %dma_wait3A_105 = tpu.memref_slice %arg6[%dma_wait3A_102, %dma_wait3A_97, %dma_wait3A_103, %dma_wait3A_104] : memref<2x2500x8x128xf32, #tpu.memory_space<hbm>> -> memref<2x1x8x128xf32, #tpu.memory_space<hbm>>
    %dma_wait3A_106 = tpu.memref_squeeze %dma_wait3A_105 : memref<2x1x8x128xf32, #tpu.memory_space<hbm>> -> memref<2x8x128xf32, #tpu.memory_space<hbm>>
    %dma_wait3A_107 = arith.constant 0 : i32
    %dma_wait3A_108 = arith.constant 0 : i32
    %dma_wait3A_109 = arith.constant 0 : i32
    %dma_wait3A_110 = tpu.memref_slice %arg16[%dma_wait3A_107, %dma_wait3A_108, %dma_wait3A_109] : memref<2x8x129xf32, #tpu.memory_space<vmem>> -> memref<2x8x128xf32, #tpu.memory_space<vmem>>
    %dma_wait3A_111 = arith.constant 0 : i32
    %dma_wait3A_112 = arith.constant 0 : i32
    %dma_wait3A_113 = arith.constant 0 : i32
    %dma_wait3A_114 = tpu.memref_slice %arg6[%dma_wait3A_111, %dma_wait3A_97, %dma_wait3A_112, %dma_wait3A_113] : memref<2x2500x8x128xf32, #tpu.memory_space<hbm>> -> memref<2x1x8x128xf32, #tpu.memory_space<hbm>>
    %dma_wait3A_115 = tpu.memref_squeeze %dma_wait3A_114 : memref<2x1x8x128xf32, #tpu.memory_space<hbm>> -> memref<2x8x128xf32, #tpu.memory_space<hbm>>
    tpu.wait_dma2 semaphore(%arg22 : memref<!tpu.dma_semaphore, #tpu.memory_space<semaphore_mem>>) src(%dma_wait3A_115 : memref<2x8x128xf32, #tpu.memory_space<hbm>>) dst(%dma_wait3A_110 : memref<2x8x128xf32, #tpu.memory_space<vmem>>)
    %dma_wait3A_116 = arith.constant 0 : i32
    %dma_wait3A_117 = arith.constant 0 : i32
    %dma_wait3A_118 = arith.constant 0 : i32
    %dma_wait3A_119 = arith.constant 0 : i32
    %dma_wait3A_120 = tpu.memref_slice %arg17[%dma_wait3A_117, %dma_wait3A_118, %dma_wait3A_119] : memref<2x8x129xf32, #tpu.memory_space<vmem>> -> memref<2x8x128xf32, #tpu.memory_space<vmem>>
    %dma_wait3A_121 = arith.constant 0 : i32
    %dma_wait3A_122 = arith.constant 0 : i32
    %dma_wait3A_123 = arith.constant 0 : i32
    %dma_wait3A_124 = tpu.memref_slice %arg7[%dma_wait3A_121, %dma_wait3A_116, %dma_wait3A_122, %dma_wait3A_123] : memref<2x2500x8x128xf32, #tpu.memory_space<hbm>> -> memref<2x1x8x128xf32, #tpu.memory_space<hbm>>
    %dma_wait3A_125 = tpu.memref_squeeze %dma_wait3A_124 : memref<2x1x8x128xf32, #tpu.memory_space<hbm>> -> memref<2x8x128xf32, #tpu.memory_space<hbm>>
    %dma_wait3A_126 = arith.constant 0 : i32
    %dma_wait3A_127 = arith.constant 0 : i32
    %dma_wait3A_128 = arith.constant 0 : i32
    %dma_wait3A_129 = tpu.memref_slice %arg17[%dma_wait3A_126, %dma_wait3A_127, %dma_wait3A_128] : memref<2x8x129xf32, #tpu.memory_space<vmem>> -> memref<2x8x128xf32, #tpu.memory_space<vmem>>
    %dma_wait3A_130 = arith.constant 0 : i32
    %dma_wait3A_131 = arith.constant 0 : i32
    %dma_wait3A_132 = arith.constant 0 : i32
    %dma_wait3A_133 = tpu.memref_slice %arg7[%dma_wait3A_130, %dma_wait3A_116, %dma_wait3A_131, %dma_wait3A_132] : memref<2x2500x8x128xf32, #tpu.memory_space<hbm>> -> memref<2x1x8x128xf32, #tpu.memory_space<hbm>>
    %dma_wait3A_134 = tpu.memref_squeeze %dma_wait3A_133 : memref<2x1x8x128xf32, #tpu.memory_space<hbm>> -> memref<2x8x128xf32, #tpu.memory_space<hbm>>
    tpu.wait_dma2 semaphore(%arg22 : memref<!tpu.dma_semaphore, #tpu.memory_space<semaphore_mem>>) src(%dma_wait3A_134 : memref<2x8x128xf32, #tpu.memory_space<hbm>>) dst(%dma_wait3A_129 : memref<2x8x128xf32, #tpu.memory_space<vmem>>)
    return
  }
}

module attributes {stable_mosaic.version = 14 : i64} {
  func.func @_proj_body(%arg0: memref<10000x128xf32, #tpu.memory_space<vmem>>, %arg1: memref<16x128xf32, #tpu.memory_space<vmem>>, %arg2: memref<16x128xf32, #tpu.memory_space<vmem>>, %arg3: memref<10000x32xf32, #tpu.memory_space<vmem>>) attributes {dimension_semantics = [], scalar_prefetch = 0 : i64, scratch_operands = 0 : i64, tpu.core_type = #tpu.core_type<tc>} {
    %get3A = arith.constant 0 : index
    %get3A_0 = arith.constant 0 : index
    %get3A_1 = vector.load %arg0[%get3A, %get3A_0] : memref<10000x128xf32, #tpu.memory_space<vmem>>, vector<10000x128xf32>
    %get3A_2 = arith.constant 0 : index
    %get3A_3 = arith.constant 0 : index
    %get3A_4 = vector.load %arg1[%get3A_2, %get3A_3] : memref<16x128xf32, #tpu.memory_space<vmem>>, vector<16x128xf32>
    %transpose3A = tpu.transpose %get3A_4, [1, 0] : vector<16x128xf32> -> vector<128x16xf32>
    %dot_general3A = arith.constant dense<0.000000e+00> : vector<10000x16xf32>
    %dot_general3A_5 = tpu.matmul %get3A_1, %transpose3A, %dot_general3A {dimension_numbers = #tpu.dot_dimension_numbers<[1], [0], [0], [1], [0, 0, 1, 1], [], []>, transpose_lhs_hint = false} : vector<10000x128xf32>, vector<128x16xf32>, vector<10000x16xf32> -> vector<10000x16xf32>
    %get3A_6 = arith.constant 0 : index
    %get3A_7 = arith.constant 0 : index
    %get3A_8 = vector.load %arg0[%get3A_6, %get3A_7] : memref<10000x128xf32, #tpu.memory_space<vmem>>, vector<10000x128xf32>
    %get3A_9 = arith.constant 0 : index
    %get3A_10 = arith.constant 0 : index
    %get3A_11 = vector.load %arg2[%get3A_9, %get3A_10] : memref<16x128xf32, #tpu.memory_space<vmem>>, vector<16x128xf32>
    %transpose3A_12 = tpu.transpose %get3A_11, [1, 0] : vector<16x128xf32> -> vector<128x16xf32>
    %dot_general3A_13 = arith.constant dense<0.000000e+00> : vector<10000x16xf32>
    %dot_general3A_14 = tpu.matmul %get3A_8, %transpose3A_12, %dot_general3A_13 {dimension_numbers = #tpu.dot_dimension_numbers<[1], [0], [0], [1], [0, 0, 1, 1], [], []>, transpose_lhs_hint = false} : vector<10000x128xf32>, vector<128x16xf32>, vector<10000x16xf32> -> vector<10000x16xf32>
    %concatenate3A = tpu.concatenate %dot_general3A_5, %dot_general3A_14 in 1 : vector<10000x16xf32>, vector<10000x16xf32> -> vector<10000x32xf32>
    %swap3A = arith.constant 0 : index
    %swap3A_15 = arith.constant 0 : index
    %swap3A_16 = vector.load %arg3[%swap3A, %swap3A_15] : memref<10000x32xf32, #tpu.memory_space<vmem>>, vector<10000x32xf32>
    tpu.vector_store %arg3[%swap3A, %swap3A_15], %concatenate3A {strides = array<i32>} : memref<10000x32xf32, #tpu.memory_space<vmem>>, vector<10000x32xf32>,
    return
  }
}

</mosaic_0001>

<sc_bundles>
// kernel: kernel.4.cloned.1.call-start
scs
__scs_entry_jumppad:
0x0: {  	(pc) =	sbr.rel $0x88, $3  }
0x1: {  	(tag) =	ssettag $0x0;
	lr =	simm.s32 $0x1  }
0x2: {  	[smem:$0x3F9B] =	sst lr;
	_ =	strace $0xD0000000  }
0x3: {  	_ = 	snop  }
0x4: {  	_ = 	snop  }
0x5: {  	_ = 	snop  }
0x6: {  	_ = 	snop  }
0x7: {  	_ = 	snop  }
__scs_overlays_trampoline_lowered:
0x8: {  	[smem:$0x3FAA] =	sst s0  }
0x9: {  	[smem:$0x3FAB] =	sst s1  }
0xa: {  	[smem:$0x3FAC] =	sst s2  }
0xb: {  	[smem:$0x3FAD] =	sst s3  }
0xc: {  	[smem:$0x3FAE] =	sst s4  }
0xd: {  	[smem:$0x3FAF] =	sst s5  }
0xe: {  	[smem:$0x3FB0] =	sst s6  }
0xf: {  	[smem:$0x3FB1] =	sst s7  }
0x10: {  	[smem:$0x3FB2] =	sst s8  }
0x11: {  	[smem:$0x3FB3] =	sst s9;
	s0 =	simm.s32 @!p0 $0x0  }
0x12: {  	s1 =	sld [smem:$0x3F99];
	s0 =	simm.s32 @p0 $0x1  }
0x13: {  	[smem:$0x3FB4] =	sst s0;
	s0 =	simm.s32 @!p1 $0x0  }
0x14: {  	s2 =	sld [smem:$0x3F98];
	s0 =	simm.s32 @p1 $0x1  }
0x15: {  	[smem:$0x3FB5] =	sst s0;
	s0 =	simm.s32 @!p2 $0x0  }
0x16: {  	s3 =	sld [smem:$0x3FDB];
	s0 =	simm.s32 @p2 $0x1  }
0x17: {  	s4 =	simm.s32 $0x1BF5;
	[smem:$0x3FB7] =	sst s0  }
0x18: {  	s0 =	sld [smem:$0x3F9A];
	_ =	swait.ge [sflag:s4], $0x0  }
0x19: {  	s7 =	sld [smem:$0x3F9B]  }
0x1a: {  	s8 =	sadd.s32 $0xFFFFE003, lr  }
0x1b: {  	s9 =	sadd.s32 $0xFFFFFEF7, lr;
	s5 =	simm.s32 $0xFFFFFFFF;
	p2 =	slt.u32 s8, $0xFFFFF086  }
0x1c: {  	p1 =	slt.u32 s9, $0xF7A;
	s5 =	simm.s32 @!p2 $0x0  }
0x1d: {  	s5 =	simm.s32 @p1 $0x1;
	p0 =	seq.s32 s7, s2  }
0x1e: {  	s7 =	smul.u32 @!p0 $0xF7A, s2;
	p2 =	seq.s32 @!p0 s5, $0x0  }
0x1f: {  	s9 =	smul.u32 $0xF7A, s1;
	s8 =	simm.s32 @!p0 $0x1BF5;
	p2 =	por !p2, p0  }
0x20: {  	[sflag:s8] =	ssyncset.s32 @!p0 $0xFFFFF086;
	s6 =	sadd.s32 @!p0 s3, s7;
	s7 =	simm.s32 @!p0 $0x108  }
0x21: {  	s3 =	sadd.s32 s3, s9;
	s6 =	sadd.s32 @!p0 $0x88, s6;
	s7 =	simm.s32 @p2 $0x1082  }
0x22: {  	[simem:s7], [sflag:s8] =	dma.local @!p0 [hbm:s6], $0xF7A  }
0x23: {  	s9 =	sor.u32 $0xD0000000, s2;
	s6 =	simm.s32 $0x108;
	_ =	swait.ge @!p0 [sflag:s8], $0x0  }
0x24: {  	s3 =	sadd.s32 $0x88, s3;
	s6 =	simm.s32 @!p1 $0x1082;
	[sflag:s4] =	ssyncset.s32 $0xFFFFF086  }
0x25: {  	[simem:s6], [sflag:s4] =	dma.local [hbm:s3], $0xF7A  }
0x26: {  	[smem:$0x3F9B] =	sst s1;
	(tag) =	ssettag s2;
	_ =	strace s9  }
0x27: {  	s1 =	sld [smem:$0x3FAB]  }
0x28: {  	s2 =	sld [smem:$0x3FAC]  }
0x29: {  	s4 =	sld [smem:$0x3FAE]  }
0x2a: {  	p0 =	seq.s32 s5, $0x0;
	s5 =	sld [smem:$0x3FAF]  }
0x2b: {  	s6 =	sld [smem:$0x3FB0]  }
0x2c: {  	s7 =	sld [smem:$0x3FB1]  }
0x2d: {  	s3 =	simm.s32 $0x108;
	s8 =	sld [smem:$0x3FB2]  }
0x2e: {  	s3 =	simm.s32 @!p0 $0x1082;
	s9 =	sld [smem:$0x3FB3]  }
0x2f: {  	lr =	sadd.s32 s0, s3;
	s0 =	sld [smem:$0x3FAA]  }
0x30: {  	s3 =	sld [smem:$0x3FAD]  }
0x31: {  	[smem:$0x3FB6] =	sst s10  }
0x32: {  	s10 =	sld [smem:$0x3FB4];
	_ =	sdelay $0x3  }
0x33: {  	p0 =	seq.s32 s10, $0x1;
	s10 =	sld [smem:$0x3FB6];
	_ =	sdelay $0x3  }
0x34: {  	[smem:$0x3FB6] =	sst s10  }
0x35: {  	s10 =	sld [smem:$0x3FB5];
	_ =	sdelay $0x3  }
0x36: {  	p1 =	seq.s32 s10, $0x1;
	s10 =	sld [smem:$0x3FB6];
	_ =	sdelay $0x3  }
0x37: {  	[smem:$0x3FB6] =	sst s10  }
0x38: {  	s10 =	sld [smem:$0x3FB7]  }
0x39: {  	_ = 	snop;
	(pc) =	sbr.ind lr, $3  }
0x3a: {  	_ = 	snop  }
0x3b: {  	_ = 	snop  }
0x3c: {  	p2 =	seq.s32 s10, $0x1;
	s10 =	sld [smem:$0x3FB6]  }
0x3d: {  	_ =	shalt  }
0x3e: {  	_ =	shalt  }
0x3f: {  	_ =	shalt  }
0x40: {  	_ =	shalt  }
0x41: {  	_ =	shalt  }
0x42: {  	_ =	shalt  }
0x43: {  	_ =	shalt  }
0x44: {  	_ =	shalt  }
0x45: {  	_ =	shalt  }
0x46: {  	_ =	shalt  }
0x47: {  	_ =	shalt  }
0x48: {  	_ =	shalt  }
0x49: {  	_ =	shalt  }
0x4a: {  	_ =	shalt  }
0x4b: {  	_ =	shalt  }
0x4c: {  	_ =	shalt  }
0x4d: {  	_ =	shalt  }
0x4e: {  	_ =	shalt  }
0x4f: {  	_ =	shalt  }
0x50: {  	_ =	shalt  }
0x51: {  	_ =	shalt  }
0x52: {  	_ =	shalt  }
0x53: {  	_ =	shalt  }
0x54: {  	_ =	shalt  }
0x55: {  	_ =	shalt  }
0x56: {  	_ =	shalt  }
0x57: {  	_ =	shalt  }
0x58: {  	_ =	shalt  }
0x59: {  	_ =	shalt  }
0x5a: {  	_ =	shalt  }
0x5b: {  	_ =	shalt  }
0x5c: {  	_ =	shalt  }
0x5d: {  	_ =	shalt  }
0x5e: {  	_ =	shalt  }
0x5f: {  	_ =	shalt  }
0x60: {  	_ =	shalt  }
0x61: {  	_ =	shalt  }
0x62: {  	_ =	shalt  }
0x63: {  	_ =	shalt  }
0x64: {  	_ =	shalt  }
0x65: {  	_ =	shalt  }
0x66: {  	_ =	shalt  }
0x67: {  	_ =	shalt  }
0x68: {  	_ =	shalt  }
0x69: {  	_ =	shalt  }
0x6a: {  	_ =	shalt  }
0x6b: {  	_ =	shalt  }
0x6c: {  	_ =	shalt  }
0x6d: {  	_ =	shalt  }
0x6e: {  	_ =	shalt  }
0x6f: {  	_ =	shalt  }
0x70: {  	_ =	shalt  }
0x71: {  	_ =	shalt  }
0x72: {  	_ =	shalt  }
0x73: {  	_ =	shalt  }
0x74: {  	_ =	shalt  }
0x75: {  	_ =	shalt  }
0x76: {  	_ =	shalt  }
0x77: {  	_ =	shalt  }
0x78: {  	_ =	shalt  }
0x79: {  	_ =	shalt  }
0x7a: {  	_ =	shalt  }
0x7b: {  	_ =	shalt  }
0x7c: {  	_ =	shalt  }
0x7d: {  	_ =	shalt  }
0x7e: {  	_ =	shalt  }
0x7f: {  	_ =	shalt  }
0x80: {  	_ =	shalt  }
0x81: {  	_ =	shalt  }
0x82: {  	_ =	shalt  }
0x83: {  	_ =	shalt  }
0x84: {  	_ =	shalt  }
0x85: {  	_ =	shalt  }
0x86: {  	_ =	shalt  }
0x87: {  	_ =	shalt  }
.Lfunc_end0:
.L_simem_size_0:
called_computation_lowered:
.L_overlay_start_0:
0x88: {  	s2 =	sld [smem:$0x3FD9]  }
0x89: {  	s3 =	sld [smem:$0x3FFE];
	_ =	sdelay $0x1  }
0x8a: {  	s1 =	srdreg.scid  }
0x8b: {  	s0 =	sand.u32 $0x1, s1  }
0x8c: {  	s14 =	sshll.u32 s0, $0xA;
	s2 =	sadd.s32 s3, s2  }
0x8d: {  	s2 =	sadd.s32 s2, s14  }
0x8e: {  	[smem:$0x3FC2] =	sst s2  }
0x8f: {  	_ = 	snop  }
0x90: {  	s2 =	sld [smem:$0x3FD0];
	_ =	sdelay $0x1  }
0x91: {  	s15 =	sld [smem:$0x3FC6]  }
0x92: {  	s5 =	simm.s32 $0xA;
	s6 =	simm.s32 $0x10;
	s4 =	sld [smem:$0x3FC4]  }
0x93: {  	[smem:s6], [sflag:s5] =	dma.local [hbm:s2], $0x1  }
0x94: {  	_ =	swait.eq [sflag:s5], $0x1  }
0x95: {  	[sflag:s5] =	ssyncset.done $0x0  }
0x96: {  	s16 =	sld [smem:$0x10];
	[sflag:s5] =	ssyncadd.s32 $0xFFFFFFFF  }
0x97: {  	s17 =	sld [smem:$0x11];
	(tm) =	ssettm $0x1  }
0x98: {  	s18 =	sld [smem:$0x3FFB];
	_ =	sdelay $0x3  }
0x99: {  	_ =	strace s18  }
0x9a: {  	s6 =	sld [smem:$0x3FFC];
	_ =	sdelay $0x3  }
0x9b: {  	_ =	strace s6  }
0x9c: {  	s6 =	sld [smem:$0x3FFD];
	_ =	sdelay $0x3  }
0x9d: {  	_ =	strace s6  }
0x9e: {  	_ =	strace $0x8FFFFFFF  }
0x9f: {  	s19 =	sld [smem:$0x3FDB];
	_ =	sdelay $0x1  }
0xa0: {  	s7 =	simm.s32 $_scs_section_size  }
0xa1: {  	s8 =	simm.s32 $_size__tile_overlayer_lowered;
	s9 =	simm.s32 $_tile_overlayer_lowered  }
0xa2: {  	s22 =	simm.s32 $0x1BFF;
	s21 =	sshll.u32 s9, $0x1;
	s6 =	sadd.s32 s7, s19  }
0xa3: {  	s10 =	simm.s32 $0x0;
	s20 =	sshll.u32 s8, $0x1;
	s8 =	sadd.s32 s21, s6  }
0xa4: {  	[timem:s10], [sflag:s22] =	dma.local [hbm:s8], s20  }
0xa5: {  	_ =	swait.ge [sflag:s22], s20  }
0xa6: {  	s7 =	ssub.s32 $0x0, s20;
	[sflag:s22] =	ssyncset.done $0x0  }
0xa7: {  	[sflag:s22] =	ssyncadd.s32 s7;
	_ =	sdelay $0x1  }
0xa8: {  	s23 =	simm.s32 $0x1B8B  }
0xa9: {  	_ =	swait.ge [sflag:s23], $0x1  }
0xaa: {  	[sflag:s23] =	ssyncset.done $0x0  }
0xab: {  	s25 =	simm.s32 $0x1B8E;
	s24 =	sld [smem:$0x3FFE];
	[sflag:s23] =	ssyncadd.s32 $0xFFFFFFFF  }
0xac: {  	s26 =	simm.s32 $execute0_lowered;
	[smem:$0x3FD2] =	sst s25  }
0xad: {  	s8 =	sshll.u32 s26, $0x1;
	_ =	strace $0x80000046;
	[dreg:$0x1] =	wrdreg $0xFFFFFFFF  }
0xae: {  	s28 =	simm.s32 $_size_execute0_lowered;
	s6 =	sadd.s32 s6, s8;
	[dreg:$0x0] =	wrdreg $0x0  }
0xaf: {  	s8 =	sshll.u32 s28, $0x1;
	[dreg:$0x2] =	wrdreg s6  }
0xb0: {  	[dreg:$0x3] =	wrdreg s8  }
0xb1: {  	[dreg:$0x4] =	wrdreg $0xC0  }
0xb2: {  	_ =	task [dreg:s10], $0x5FFFF  }
0xb3: {  	[dreg:$0x1] =	wrdreg $0xFFFFFFFF  }
0xb4: {  	[dreg:$0x0] =	wrdreg $0x60  }
0xb5: {  	[dreg:$0x2] =	wrdreg s24  }
0xb6: {  	[dreg:$0x3] =	wrdreg s15  }
0xb7: {  	[dreg:$0x4] =	wrdreg s4  }
0xb8: {  	[dreg:$0x5] =	wrdreg s16  }
0xb9: {  	[dreg:$0x6] =	wrdreg s17  }
0xba: {  	[dreg:$0x7] =	wrdreg $0x9  }
0xbb: {  	_ =	task.clear_ibuf [dreg:s10], $0x8FFFF;
	_ =	strace $0x90000046  }
0xbc: {  	s29 =	simm.s32 $0x9;
	_ =	strace $0x80000048  }
0xbd: {  	_ =	swait.ge [sflag:s29], $0x1  }
0xbe: {  	[sflag:s29] =	ssyncadd.s32 $0xFFFFFFFF  }
0xbf: {  	_ =	strace $0x90000048  }
0xc0: {  	_ =	sfence  }
0xc1: {  	s30 =	sld [smem:$0x0];
	_ =	sdelay $0x2  }
0xc2: {  	s31 =	sshll.u32 s1, $0xD;
	s1 =	sshrl.u32 s1, $0x2  }
0xc3: {  	s3 =	sand.u32 $0x4000, s31;
	s1 =	sadd.s32 s1, s30  }
0xc4: {  	s0 =	sor.u32 s3, s0;
	s1 =	sshll.u32 s1, $0x11  }
0xc5: {  	s0 =	sor.u32 s1, s0  }
0xc6: {  	s0 =	sadd.s32 $0x8F2B, s0  }
0xc7: {  	[sflag:s0] =	ssyncadd.remote.s32 $0x1  }
0xc8: {  	_ =	sfence.sel $0xFFFF  }
0xc9: {  	[dreg:$0x0] =	wrdreg $0xFFFFFFFF;
	(pc) =	sbr.abs _section_cstart, $3  }
0xca: {  	[dreg:$0x1] =	wrdreg $0xFFFFFFFF  }
0xcb: {  	_ =	task.clear_ibuf [dreg:s10], $0x2FFFF;
	_ =	strace $0x9FFFFFFF  }
0xcc: {  	(tm) =	ssettm $0x7FFFFFFF  }
0xcd: {  	_ =	shalt  }
tec
execute0_lowered:
.L_overlay_start_1:
0x0: {  	(tag) =	ssettag $0x1  }
0x1: {  	s0 =	rddreg [dreg:$0x0]  }
0x2: {  	s1 =	srdreg.scid;
	s4 =	rddreg [dreg:$0x3]  }
0x3: {  	s10 =	stileid.u32;
	s5 =	rddreg [dreg:$0x4]  }
0x4: {  	s6 =	simm.s32 $0x0;
	s9 =	simm.s32 $0x4F;
	s13 =	simm.s32 $0x9A28  }
0x5: {  	s14 =	simm.s32 $0x9AB0;
	s16 =	simm.s32 $0x9B38;
	s28 =	simm.s32 $0x9CD0  }
0x6: {  	s29 =	simm.s32 $0x9D58;
	s30 =	simm.s32 $0x9DE0;
	s31 =	simm.s32 $0x9E68  }
0x7: {  	s15 =	simm.s32 $0xA880;
	s1 =	sand.u32 $0x1, s1;
	s2 =	sshll.u32 s10, $0x1  }
0x8: {  	s12 =	simm.s32 $0x0;
	[smem:$0x7FF] =	sst s6;
	s2 =	sor.u32 s1, s2  }
0x9: {  	s8 =	sadd.s32 $0x14800, s0;
	p0 =	slt.u32 s10, $0x2;
	s3 =	smul.u32 $0x4E, s2  }
0xa: {  	_ =	strace $0x80000047;
	s1 =	ssub.s32 $0x2, s1;
	s2 =	smin.u32 s2, $0x4  }
0xb: {  	s9 =	simm.s32 @!p0 $0x4E;
	s22 =	sshrl.u32 s1, $0x1;
	s7 =	sadd.s32 s2, s3  }
0xc: {  	p0 =	sgt.u32 s10, $0x1;
	s1 =	ssub.s32 s1, s22;
	s2 =	sshll.u32 s7, $0x4  }
0xd: {  	s22 =	simm.s32 $0x1;
	s26 =	smax.u32 s1, $0x1;
	s0 =	sadd.s32 s2, s0  }
0xe: {  	v0 =	vlaneseq.u32;
	s3 =	simm.s32 $0x9EF0;
	[dreg:$0xa] =	wrdreg s26;
	s23 =	sadd.s32 $0xE00, s0  }
.Ltmp0:
0xf: {  	v0 =	vmul.u32 $0x88, v0;
	s24 =	sadd.s32 $0xAA40, s0;
	[dreg:$0x6] =	wrdreg s23;
	(pc) =	sbr.rel .LBB2_1-.Ltmp0, $4  }
0x10: {  	s1 =	simm.s32 $0x2;
	s25 =	sadd.s32 $0x12E0, s0;
	[dreg:$0x7] =	wrdreg s24  }
0x11: {  	v1 =	vor.u32 $0x1, v0;
	s26 =	simm.s32 $0x9C48;
	s0 =	sadd.s32 $0xAF20, s0;
	[dreg:$0x8] =	wrdreg s25  }
0x12: {  	v2 =	vor.u32 $0x2, v0;
	v3 =	vor.u32 $0x3, v0;
	v4 =	vor.u32 $0x4, v0;
	s2 =	simm.s32 $0xA000;
	[dreg:$0x9] =	wrdreg s0;
	s23 =	simm.s32 $0x8F00  }
0x13: {  	v5 =	vor.u32 $0x5, v0;
	v6 =	vor.u32 $0x6, v0;
	v7 =	vor.u32 $0x7, v0;
	s24 =	simm.s32 $0x9780;
	s25 =	simm.s32 $0x9BC0;
	s0 =	simm.s32 $0x9F78  }
.LBB2_9:
0x14: {  	s10 =	simm.s32 $0x3  }
0x15: {  	_ =	swait.ge [sflag:s10], $0x800  }
0x16: {  	[sflag:s10] =	ssyncset.done $0x0  }
0x17: {  	[sflag:s10] =	ssyncadd.s32 $0xFFFFF800  }
0x18: {  	_ =	swait.ge [sflag:s10], $0x800  }
0x19: {  	[sflag:s10] =	ssyncset.done $0x0  }
0x1a: {  	s11 =	simm.s32 $0x4;
	[sflag:s10] =	ssyncadd.s32 $0xFFFFF800  }
0x1b: {  	_ =	swait.ge [sflag:s11], $0x800  }
0x1c: {  	[sflag:s11] =	ssyncset.done $0x0  }
0x1d: {  	[sflag:s11] =	ssyncadd.s32 $0xFFFFF800  }
0x1e: {  	_ =	swait.ge [sflag:s11], $0x800  }
0x1f: {  	s12 =	rddreg [dreg:$0xb]  }
0x20: {  	s21 =	rddreg [dreg:$0xa];
	s12 =	sadd.s32 $0x1, s12  }
0x21: {  	p1 =	sne.s32 s12, s21  }
.Ltmp1:
0x22: {  	_ = 	snop;
	(pc) =	sbr.rel @!p1 .LBB2_10-.Ltmp1, $3  }
0x23: {  	_ =	sdelay $0x1  }
0x24: {  	[sflag:s11] =	ssyncset.done $0x0  }
0x25: {  	[sflag:s11] =	ssyncadd.s32 $0xFFFFF800  }
.LBB2_1:
0x26: {  	[dreg:$0xb] =	wrdreg s12  }
0x27: {  	s10 =	rddreg [dreg:$0x1];
	s11 =	simm.s32 $0xB100;
	s20 =	simm.s32 $0x5  }
0x28: {  	[tilespmem:s11], [sflag:$0x5] =	stream.linear.gather [hbm4b:s10+s6], $0x10, $0x38;
	[tilespmem:$0xB120] =	vst v63  }
0x29: {  	_ =	swait.ge [sflag:s20], $0x10  }
0x2a: {  	[sflag:s20] =	ssyncset.done $0x0  }
0x2b: {  	[sflag:s20] =	ssyncadd.s32 $0xFFFFFFF0  }
0x2c: {  	s17 =	simm.s32 $0xB110;
	s21 =	rddreg [dreg:$0x2]  }
0x2d: {  	[tilespmem:s17], [sflag:$0x5] =	stream.linear.gather [hbm4b:s21+s6], $0x10, $0x38;
	[tilespmem:$0xB120] =	vst v63  }
0x2e: {  	_ =	swait.ge [sflag:s20], $0x10  }
0x2f: {  	[sflag:s20] =	ssyncset.done $0x0  }
0x30: {  	s12 =	rddreg [dreg:$0x6];
	[sflag:s20] =	ssyncadd.s32 $0xFFFFFFF0  }
0x31: {  	[tilespmem:s6], [sflag:$0x5] =	stream.linear.gather [hbm4b:s12+s6], $0x2700, $0x38;
	[tilespmem:$0xB120] =	vst v63  }
0x32: {  	_ =	swait.ge [sflag:s20], $0x2700  }
0x33: {  	[sflag:s20] =	ssyncset.done $0x0  }
0x34: {  	s19 =	simm.s32 $0x2780;
	s17 =	rddreg [dreg:$0x7];
	[sflag:s20] =	ssyncadd.s32 $0xFFFFD900  }
0x35: {  	[tilespmem:s19], [sflag:$0x5] =	stream.linear.gather [hbm4b:s17+s6], $0x2700, $0x38;
	[tilespmem:$0xB120] =	vst v63  }
0x36: {  	_ =	swait.ge [sflag:s20], $0x2700  }
0x37: {  	s10 =	simm.s32 @!p0 $0x0;
	[sflag:s20] =	ssyncset.done $0x0  }
0x38: {  	s11 =	simm.s32 @!p0 $0x2700;
	s17 =	rddreg [dreg:$0x8];
	[sflag:s20] =	ssyncadd.s32 $0xFFFFD900  }
0x39: {  	[tilespmem:s11], [sflag:$0x5] =	stream.linear.gather @!p0 [hbm4b:s17+s10], $0x80, $0x38;
	[tilespmem:$0xB120] =	vst v63  }
0x3a: {  	s11 =	simm.s32 @!p0 $0x5  }
0x3b: {  	_ =	swait.ge @!p0 [sflag:s11], $0x80  }
0x3c: {  	[sflag:s11] =	ssyncset.done @!p0 $0x0  }
0x3d: {  	s17 =	simm.s32 @!p0 $0x4E80;
	s18 =	rddreg [dreg:$0x9];
	[sflag:s11] =	ssyncadd.s32 @!p0 $0xFFFFFF80  }
0x3e: {  	[tilespmem:s17], [sflag:$0x5] =	stream.linear.gather @!p0 [hbm4b:s18+s10], $0x80, $0x38;
	[tilespmem:$0xB120] =	vst v63  }
0x3f: {  	_ =	swait.ge @!p0 [sflag:s11], $0x80  }
0x40: {  	[sflag:s11] =	ssyncset.done @!p0 $0x0  }
.Ltmp2:
0x41: {  	[sflag:s11] =	ssyncadd.s32 @!p0 $0xFFFFFF80;
	(pc) =	sbr.rel .LBB2_2-.Ltmp2, $4  }
0x42: {  	s20 =	simm.s32 $0x4F00;
	s18 =	simm.s32 $0x80;
	s17 =	simm.s32 @!p0 $0x28;
	v9 =	vld [tilespmem:$0xB110]  }
0x43: {  	v8 =	vld [tilespmem:$0xB100];
	[tilespmem:s20], [sflag:$0x1] =	stream.indirect.gather [hbm4b:s8+s18], $0x20, s6, s18, $0xb8  }
0x44: {  	s21 =	simm.s32 $0x5F00;
	s17 =	simm.s32 @p0 $0x27;
	s20 =	simm.s32 $0x0  }
0x45: {  	[tilespmem:s21], [sflag:$0x1] =	stream.indirect.gather [hbm4b:s8+s18], $0x20, s19, s18, $0xb8;
	[tilespmem:$0xB120] =	vst v63  }
.LBB2_8:
0x46: {  	s20 =	sadd.s32 $0x1, s20  }
0x47: {  	p1 =	sne.s32 s20, s17  }
.Ltmp3:
0x48: {  	_ = 	snop;
	(pc) =	sbr.rel @!p1 .LBB2_9-.Ltmp3, $1  }
0x49: {  	_ =	sdelay $0x3  }
.LBB2_2:
0x4a: {  	s21 =	sshllo.u32 s20, $0x1  }
0x4b: {  	p2 =	sge.u32 s21, s9  }
0x4c: {  	s10 =	sshll.u32 @!p2 s21, $0x7;
	s11 =	simm.s32 @!p2 $0x80;
	s18 =	simm.s32 @!p2 $0x6F00  }
0x4d: {  	[tilespmem:s18], [sflag:$0x2] =	stream.indirect.gather @!p2 [hbm4b:s8+s11], $0x20, s10, s11, $0xb8;
	[tilespmem:$0xB120] =	vst v63  }
0x4e: {  	s10 =	sadd.s32 @!p2 $0x2780, s10;
	s18 =	simm.s32 @!p2 $0x7F00  }
0x4f: {  	[tilespmem:s18], [sflag:$0x2] =	stream.indirect.gather @!p2 [hbm4b:s8+s11], $0x20, s10, s11, $0xb8;
	[tilespmem:$0xB120] =	vst v63  }
0x50: {  	_ =	swait.ge [sflag:s22], $0x1000  }
0x51: {  	[sflag:s22] =	ssyncset.done $0x0  }
0x52: {  	[sflag:s22] =	ssyncadd.s32 $0xFFFFF000  }
0x53: {  	_ =	swait.ge [sflag:s22], $0x1000  }
0x54: {  	p1 =	seq.s32 s20, $0x0;
	[sflag:s22] =	ssyncset.done $0x0  }
0x55: {  	s10 =	simm.s32 @!p1 $0x3;
	[sflag:s22] =	ssyncadd.s32 $0xFFFFF000  }
0x56: {  	_ =	swait.ge @!p1 [sflag:s10], $0x800  }
0x57: {  	[sflag:s10] =	ssyncset.done @!p1 $0x0  }
0x58: {  	[sflag:s10] =	ssyncadd.s32 @!p1 $0xFFFFF800  }
0x59: {  	_ =	swait.ge @!p1 [sflag:s10], $0x800  }
0x5a: {  	[sflag:s10] =	ssyncset.done @!p1 $0x0  }
0x5b: {  	s12 =	simm.s32 $0x4F80;
	[sflag:s10] =	ssyncadd.s32 @!p1 $0xFFFFF800  }
0x5c: {  	s19 =	simm.s32 $0x5F80;
	v12 =	vld [tilespmem:s12+$0x60]  }
0x5d: {  	v13 =	vld [tilespmem:s19+$0x60]  }
0x5e: {  	v14 =	vld [tilespmem:s12+$0x70]  }
0x5f: {  	v15 =	vld [tilespmem:s19+$0x70]  }
0x60: {  	v10 =	vld [tilespmem:s19+$0xFFFFFF80]  }
0x61: {  	v17 =	vld [tilespmem:s12+$0xFFFFFF90]  }
0x62: {  	v18 =	vld [tilespmem:s19+$0xFFFFFF90]  }
0x63: {  	v16 =	vld [tilespmem:s12+$0xFFFFFFA0]  }
0x64: {  	v19 =	vld [tilespmem:s19+$0xFFFFFFA0]  }
0x65: {  	v20 =	vld [tilespmem:s12+$0xFFFFFFB0]  }
0x66: {  	v21 =	vld [tilespmem:s19+$0xFFFFFFB0]  }
0x67: {  	v22 =	vld [tilespmem:s12+$0xFFFFFFC0]  }
0x68: {  	v23 =	vld [tilespmem:s19+$0xFFFFFFC0]  }
0x69: {  	v24 =	vld [tilespmem:s12+$0xFFFFFFD0]  }
0x6a: {  	v11 =	vimm.s32 $0x0;
	v25 =	vld [tilespmem:s19+$0xFFFFFFD0]  }
0x6b: {  	v26 =	vadd.s32 v7, v11;
	v27 =	vld [tilespmem:s12+$0xFFFFFFE0]  }
0x6c: {  	v58 =	vld [tilespmem:s19+$0x10];
	v12 =	vsub.f32 v12, v13  }
0x6d: {  	v28 =	vadd.s32 v1, v11;
	v13 =	vld [tilespmem:s19+$0xFFFFFFE0];
	v14 =	vsub.f32 v14, v15  }
0x6e: {  	v15 =	vld [tilespmem:s12+$0xFFFFFFF0];
	v16 =	vsub.f32 v16, v19;
	v12 =	vadd.f32 v12, v8  }
0x6f: {  	v19 =	vld [tilespmem:s19+$0xFFFFFFF0];
	v20 =	vsub.f32 v20, v21;
	v14 =	vadd.f32 v14, v9  }
0x70: {  	v29 =	vadd.s32 v2, v11;
	v21 =	vld [tilespmem:s12+$0x0];
	[tilespmem:v26+s23+$0x0] =	vst.idx.msk $0xffff, v12;
	v12 =	vadd.f32 v16, v8  }
0x71: {  	v16 =	vld [tilespmem:s19+$0x0];
	[tilespmem:v26+s24+$0x0] =	vst.idx.msk $0xffff, v14;
	v14 =	vadd.f32 v20, v9;
	v20 =	vsub.f32 v22, v23  }
0x72: {  	v22 =	vld [tilespmem:s12+$0x10];
	v23 =	vsub.f32 v24, v25;
	[tilespmem:v28+s23+$0x0] =	vst.idx.msk $0xffff, v12  }
0x73: {  	v59 =	vadd.s32 v3, v11;
	v60 =	vld [tilespmem:s19+$0x20];
	[tilespmem:v28+s24+$0x0] =	vst.idx.msk $0xffff, v14;
	v14 =	vadd.f32 v20, v8  }
0x74: {  	v61 =	vadd.s32 v4, v11;
	v13 =	vsub.f32 v27, v13;
	v20 =	vld [tilespmem:s12+$0x20];
	v23 =	vadd.f32 v23, v9  }
0x75: {  	v62 =	vld [tilespmem:s12+$0x30];
	v12 =	vadd.s32 v0, v11;
	[tilespmem:v29+s23+$0x0] =	vst.idx.msk $0xffff, v14;
	v14 =	vsub.f32 v15, v19  }
0x76: {  	v13 =	vadd.f32 v13, v8;
	v19 =	vsub.f32 v21, v16;
	[tilespmem:v29+s24+$0x0] =	vst.idx.msk $0xffff, v23;
	v23 =	vld [tilespmem:s19+$0x30]  }
0x77: {  	v15 =	vadd.s32 v5, v11;
	v16 =	vld [tilespmem:s12+$0x40];
	v21 =	vsub.f32 v22, v58;
	v14 =	vadd.f32 v14, v9  }
0x78: {  	[tilespmem:v59+s23+$0x0] =	vst.idx.msk $0xffff, v13;
	v22 =	vsub.f32 v17, v18;
	v18 =	vld [tilespmem:s19+$0x40];
	v19 =	vadd.f32 v19, v8  }
0x79: {  	v17 =	vld [tilespmem:s12+$0x50];
	v21 =	vadd.f32 v21, v9;
	v63 =	vsub.f32 v20, v60;
	[tilespmem:v59+s24+$0x0] =	vst.idx.msk $0xffff, v14  }
0x7a: {  	v13 =	vadd.s32 v6, v11;
	v14 =	vadd.f32 v22, v9;
	[tilespmem:v61+s23+$0x0] =	vst.idx.msk $0xffff, v19;
	v19 =	vld [tilespmem:s19+$0x50]  }
0x7b: {  	s18 =	sshll.u32 s20, $0x1;
	s11 =	simm.s32 $0x5080;
	s10 =	simm.s32 $0x0;
	v20 =	vld [tilespmem:s12+$0xFFFFFF80];
	[tilespmem:v61+s24+$0x0] =	vst.idx.msk $0xffff, v21;
	v21 =	vadd.f32 v63, v8;
	v22 =	vsub.f32 v62, v23  }
.LBB2_3:
0x7c: {  	v23 =	vld [tilespmem:s11+$0x60];
	s19 =	sadd.s32 $0x100, s19  }
0x7d: {  	v24 =	vld [tilespmem:s19+$0x60];
	v22 =	vadd.f32 v22, v9;
	[tilespmem:v15+s23+$0x0] =	vst.idx.msk $0xffff, v21;
	v16 =	vsub.f32 v16, v18  }
0x7e: {  	v18 =	vld [tilespmem:s11+$0x70]  }
0x7f: {  	s10 =	sadd.s32 $0x8, s10;
	v21 =	vld [tilespmem:s19+$0x70];
	[tilespmem:v15+s24+$0x0] =	vst.idx.msk $0xffff, v22;
	v15 =	vadd.f32 v16, v8;
	v16 =	vsub.f32 v17, v19  }
0x80: {  	p3 =	slt.u32 s10, $0x78;
	v17 =	vsub.f32 v20, v10;
	v10 =	vld [tilespmem:s19+$0xFFFFFF80]  }
0x81: {  	v11 =	vadd.s32 $0x8, v11;
	v19 =	vld [tilespmem:s11+$0xFFFFFF90];
	v16 =	vadd.f32 v16, v9;
	[tilespmem:v13+s23+$0x0] =	vst.idx.msk $0xffff, v15  }
0x82: {  	v25 =	vadd.s32 v7, v11;
	v22 =	vadd.s32 v0, v11;
	v20 =	vld [tilespmem:s19+$0xFFFFFF90];
	v17 =	vadd.f32 v17, v8  }
0x83: {  	v27 =	vadd.s32 v1, v11;
	v28 =	vadd.s32 v2, v11;
	v23 =	vsub.f32 v23, v24;
	v26 =	vld [tilespmem:s11+$0xFFFFFFA0]  }
0x84: {  	v29 =	vadd.s32 v3, v11;
	v30 =	vadd.s32 v4, v11;
	v24 =	vld [tilespmem:s19+$0xFFFFFFA0];
	v18 =	vsub.f32 v18, v21  }
0x85: {  	v31 =	vadd.s32 v6, v11;
	v15 =	vadd.s32 v5, v11;
	v23 =	vadd.f32 v23, v8;
	v21 =	vld [tilespmem:s11+$0xFFFFFFB0]  }
0x86: {  	v32 =	vld [tilespmem:s19+$0xFFFFFFB0];
	v18 =	vadd.f32 v18, v9;
	[tilespmem:v12+s23+$0x0] =	vst.idx.msk $0xffff, v17  }
0x87: {  	v17 =	vsub.f32 v19, v20;
	v19 =	vld [tilespmem:s11+$0xFFFFFFC0];
	[tilespmem:v25+s23+$0x0] =	vst.idx.msk $0xffff, v23  }
0x88: {  	v20 =	vld [tilespmem:s19+$0xFFFFFFC0];
	[tilespmem:v25+s24+$0x0] =	vst.idx.msk $0xffff, v18  }
0x89: {  	v18 =	vsub.f32 v26, v24;
	v23 =	vld [tilespmem:s11+$0xFFFFFFD0];
	[tilespmem:v12+s24+$0x0] =	vst.idx.msk $0xffff, v14;
	v14 =	vadd.f32 v17, v9;
	v12 =	vmov v22  }
0x8a: {  	v17 =	vld [tilespmem:s19+$0xFFFFFFD0];
	[tilespmem:v13+s24+$0x0] =	vst.idx.msk $0xffff, v16;
	v13 =	vmov v31  }
0x8b: {  	v16 =	vadd.f32 v18, v8;
	v18 =	vsub.f32 v21, v32;
	v21 =	vld [tilespmem:s11+$0xFFFFFFE0]  }
0x8c: {  	v22 =	vld [tilespmem:s19+$0xFFFFFFE0]  }
0x8d: {  	v18 =	vadd.f32 v18, v9;
	[tilespmem:v27+s23+$0x0] =	vst.idx.msk $0xffff, v16;
	v16 =	vsub.f32 v19, v20;
	v19 =	vld [tilespmem:s11+$0xFFFFFFF0]  }
0x8e: {  	v20 =	vld [tilespmem:s19+$0xFFFFFFF0]  }
0x8f: {  	[tilespmem:v27+s24+$0x0] =	vst.idx.msk $0xffff, v18;
	v16 =	vadd.f32 v16, v8;
	v17 =	vsub.f32 v23, v17;
	v18 =	vld [tilespmem:s11+$0x0]  }
0x90: {  	v23 =	vld [tilespmem:s19+$0x0]  }
0x91: {  	v17 =	vadd.f32 v17, v9;
	[tilespmem:v28+s23+$0x0] =	vst.idx.msk $0xffff, v16;
	v16 =	vsub.f32 v21, v22;
	v21 =	vld [tilespmem:s11+$0x10]  }
0x92: {  	v22 =	vld [tilespmem:s19+$0x10]  }
0x93: {  	[tilespmem:v28+s24+$0x0] =	vst.idx.msk $0xffff, v17;
	v16 =	vadd.f32 v16, v8;
	v17 =	vsub.f32 v19, v20;
	v19 =	vld [tilespmem:s11+$0x20]  }
0x94: {  	v20 =	vld [tilespmem:s19+$0x20]  }
0x95: {  	v17 =	vadd.f32 v17, v9;
	[tilespmem:v29+s23+$0x0] =	vst.idx.msk $0xffff, v16;
	v16 =	vsub.f32 v18, v23;
	v23 =	vld [tilespmem:s11+$0x30]  }
0x96: {  	v24 =	vld [tilespmem:s19+$0x30]  }
.Ltmp4:
0x97: {  	[tilespmem:v29+s24+$0x0] =	vst.idx.msk $0xffff, v17;
	v17 =	vadd.f32 v16, v8;
	v21 =	vsub.f32 v21, v22;
	v16 =	vld [tilespmem:s11+$0x40];
	(pc) =	sbr.rel @p3 .LBB2_3-.Ltmp4, $4  }
0x98: {  	v18 =	vld [tilespmem:s19+$0x40]  }
0x99: {  	v21 =	vadd.f32 v21, v9;
	[tilespmem:v30+s23+$0x0] =	vst.idx.msk $0xffff, v17;
	v22 =	vsub.f32 v19, v20;
	v17 =	vld [tilespmem:s11+$0x50]  }
0x9a: {  	v19 =	vld [tilespmem:s19+$0x50]  }
0x9b: {  	v20 =	vld [tilespmem:s11+$0xFFFFFF80];
	[tilespmem:v30+s24+$0x0] =	vst.idx.msk $0xffff, v21;
	v21 =	vadd.f32 v22, v8;
	v22 =	vsub.f32 v23, v24;
	s11 =	sadd.s32 $0x100, s11  }
0x9c: {  	_ = 	snop  }
0x9d: {  	v11 =	vsub.f32 v16, v18;
	_ =	sdelay $0x1  }
0x9e: {  	v11 =	vadd.f32 v11, v8;
	v63 =	vsub.f32 v17, v19  }
0x9f: {  	v62 =	vadd.f32 v22, v9;
	[tilespmem:v15+s23+$0x0] =	vst.idx.msk $0xffff, v21;
	v10 =	vsub.f32 v20, v10  }
0xa0: {  	[tilespmem:v13+s23+$0x0] =	vst.idx.msk $0xffff, v11;
	v11 =	vadd.f32 v63, v9  }
0xa1: {  	s10 =	sadd.s32 s7, s18;
	[tilespmem:v15+s24+$0x0] =	vst.idx.msk $0xffff, v62;
	v10 =	vadd.f32 v10, v8  }
0xa2: {  	s10 =	sshll.u32 s10, $0x7;
	[tilespmem:v13+s24+$0x0] =	vst.idx.msk $0xffff, v11  }
0xa3: {  	s10 =	sand.u32 $0x1FFFFF80, s10;
	[tilespmem:v12+s23+$0x0] =	vst.idx.msk $0xffff, v10  }
0xa4: {  	s11 =	sadd.s32 s4, s10;
	[tilespmem:v12+s24+$0x0] =	vst.idx.msk $0xffff, v14  }
0xa5: {  	[hbm4b:s11+s6] =	stream.linear.scatter [tilespmem:s23], [sflag:$0x3], $0x80, $0x38;
	[tilespmem:$0xB120] =	vst v63  }
0xa6: {  	s12 =	simm.s32 $0x8F88;
	s19 =	sadd.s32 $0x10, s11  }
0xa7: {  	[hbm4b:s19+s6] =	stream.linear.scatter [tilespmem:s12], [sflag:$0x3], $0x80, $0x38;
	[tilespmem:$0xB120] =	vst v63  }
0xa8: {  	s19 =	sadd.s32 $0x20, s11;
	s12 =	simm.s32 $0x9010  }
0xa9: {  	[hbm4b:s19+s6] =	stream.linear.scatter [tilespmem:s12], [sflag:$0x3], $0x80, $0x38;
	[tilespmem:$0xB120] =	vst v63  }
0xaa: {  	s19 =	sadd.s32 $0x30, s11;
	s12 =	simm.s32 $0x9098  }
0xab: {  	[hbm4b:s19+s6] =	stream.linear.scatter [tilespmem:s12], [sflag:$0x3], $0x80, $0x38;
	[tilespmem:$0xB120] =	vst v63  }
0xac: {  	s19 =	sadd.s32 $0x40, s11;
	s12 =	simm.s32 $0x9120  }
0xad: {  	[hbm4b:s19+s6] =	stream.linear.scatter [tilespmem:s12], [sflag:$0x3], $0x80, $0x38;
	[tilespmem:$0xB120] =	vst v63  }
0xae: {  	s19 =	sadd.s32 $0x50, s11;
	s12 =	simm.s32 $0x91A8  }
0xaf: {  	[hbm4b:s19+s6] =	stream.linear.scatter [tilespmem:s12], [sflag:$0x3], $0x80, $0x38;
	[tilespmem:$0xB120] =	vst v63  }
0xb0: {  	s19 =	sadd.s32 $0x60, s11;
	s12 =	simm.s32 $0x9230  }
0xb1: {  	[hbm4b:s19+s6] =	stream.linear.scatter [tilespmem:s12], [sflag:$0x3], $0x80, $0x38;
	[tilespmem:$0xB120] =	vst v63  }
0xb2: {  	s19 =	sadd.s32 $0x70, s11;
	s12 =	simm.s32 $0x92B8  }
0xb3: {  	[hbm4b:s19+s6] =	stream.linear.scatter [tilespmem:s12], [sflag:$0x3], $0x80, $0x38;
	[tilespmem:$0xB120] =	vst v63  }
0xb4: {  	s11 =	sadd.s32 $0x4E200, s11;
	s19 =	simm.s32 $0x9340  }
0xb5: {  	[hbm4b:s11+s6] =	stream.linear.scatter [tilespmem:s19], [sflag:$0x3], $0x80, $0x38;
	[tilespmem:$0xB120] =	vst v63  }
0xb6: {  	s12 =	simm.s32 $0x93C8;
	s19 =	sadd.s32 $0x10, s11  }
0xb7: {  	[hbm4b:s19+s6] =	stream.linear.scatter [tilespmem:s12], [sflag:$0x3], $0x80, $0x38;
	[tilespmem:$0xB120] =	vst v63  }
0xb8: {  	s19 =	sadd.s32 $0x20, s11;
	s12 =	simm.s32 $0x9450  }
0xb9: {  	[hbm4b:s19+s6] =	stream.linear.scatter [tilespmem:s12], [sflag:$0x3], $0x80, $0x38;
	[tilespmem:$0xB120] =	vst v63  }
0xba: {  	s19 =	sadd.s32 $0x30, s11;
	s12 =	simm.s32 $0x94D8  }
0xbb: {  	[hbm4b:s19+s6] =	stream.linear.scatter [tilespmem:s12], [sflag:$0x3], $0x80, $0x38;
	[tilespmem:$0xB120] =	vst v63  }
0xbc: {  	s19 =	sadd.s32 $0x40, s11;
	s12 =	simm.s32 $0x9560  }
0xbd: {  	[hbm4b:s19+s6] =	stream.linear.scatter [tilespmem:s12], [sflag:$0x3], $0x80, $0x38;
	[tilespmem:$0xB120] =	vst v63  }
0xbe: {  	s19 =	sadd.s32 $0x50, s11;
	s12 =	simm.s32 $0x95E8  }
0xbf: {  	[hbm4b:s19+s6] =	stream.linear.scatter [tilespmem:s12], [sflag:$0x3], $0x80, $0x38;
	[tilespmem:$0xB120] =	vst v63  }
0xc0: {  	s19 =	sadd.s32 $0x60, s11;
	s12 =	simm.s32 $0x9670  }
0xc1: {  	[hbm4b:s19+s6] =	stream.linear.scatter [tilespmem:s12], [sflag:$0x3], $0x80, $0x38;
	[tilespmem:$0xB120] =	vst v63  }
0xc2: {  	s11 =	sadd.s32 $0x70, s11;
	s19 =	simm.s32 $0x96F8  }
0xc3: {  	[hbm4b:s11+s6] =	stream.linear.scatter [tilespmem:s19], [sflag:$0x3], $0x80, $0x38;
	[tilespmem:$0xB120] =	vst v63  }
0xc4: {  	s10 =	sadd.s32 s5, s10  }
0xc5: {  	[hbm4b:s10+s6] =	stream.linear.scatter [tilespmem:s24], [sflag:$0x3], $0x80, $0x38;
	[tilespmem:$0xB120] =	vst v63  }
0xc6: {  	s12 =	sadd.s32 $0x10, s10;
	s19 =	simm.s32 $0x9808  }
0xc7: {  	[hbm4b:s12+s6] =	stream.linear.scatter [tilespmem:s19], [sflag:$0x3], $0x80, $0x38;
	[tilespmem:$0xB120] =	vst v63  }
0xc8: {  	s12 =	sadd.s32 $0x20, s10;
	s19 =	simm.s32 $0x9890  }
0xc9: {  	[hbm4b:s12+s6] =	stream.linear.scatter [tilespmem:s19], [sflag:$0x3], $0x80, $0x38;
	[tilespmem:$0xB120] =	vst v63  }
0xca: {  	s12 =	sadd.s32 $0x30, s10;
	s19 =	simm.s32 $0x9918  }
0xcb: {  	[hbm4b:s12+s6] =	stream.linear.scatter [tilespmem:s19], [sflag:$0x3], $0x80, $0x38;
	[tilespmem:$0xB120] =	vst v63  }
0xcc: {  	s12 =	sadd.s32 $0x40, s10;
	s19 =	simm.s32 $0x99A0  }
0xcd: {  	[hbm4b:s12+s6] =	stream.linear.scatter [tilespmem:s19], [sflag:$0x3], $0x80, $0x38;
	[tilespmem:$0xB120] =	vst v63  }
0xce: {  	s19 =	sadd.s32 $0x50, s10  }
0xcf: {  	[hbm4b:s19+s6] =	stream.linear.scatter [tilespmem:s13], [sflag:$0x3], $0x80, $0x38;
	[tilespmem:$0xB120] =	vst v63  }
0xd0: {  	s12 =	sadd.s32 $0x60, s10  }
0xd1: {  	[hbm4b:s12+s6] =	stream.linear.scatter [tilespmem:s14], [sflag:$0x3], $0x80, $0x38;
	[tilespmem:$0xB120] =	vst v63  }
0xd2: {  	s19 =	sadd.s32 $0x70, s10  }
0xd3: {  	[hbm4b:s19+s6] =	stream.linear.scatter [tilespmem:s16], [sflag:$0x3], $0x80, $0x38;
	[tilespmem:$0xB120] =	vst v63  }
0xd4: {  	s10 =	sadd.s32 $0x4E200, s10  }
0xd5: {  	[hbm4b:s10+s6] =	stream.linear.scatter [tilespmem:s25], [sflag:$0x3], $0x80, $0x38;
	[tilespmem:$0xB120] =	vst v63  }
0xd6: {  	s12 =	sadd.s32 $0x10, s10  }
0xd7: {  	[hbm4b:s12+s6] =	stream.linear.scatter [tilespmem:s26], [sflag:$0x3], $0x80, $0x38;
	[tilespmem:$0xB120] =	vst v63  }
0xd8: {  	s19 =	sadd.s32 $0x20, s10  }
0xd9: {  	[hbm4b:s19+s6] =	stream.linear.scatter [tilespmem:s28], [sflag:$0x3], $0x80, $0x38;
	[tilespmem:$0xB120] =	vst v63  }
0xda: {  	s12 =	sadd.s32 $0x30, s10  }
0xdb: {  	[hbm4b:s12+s6] =	stream.linear.scatter [tilespmem:s29], [sflag:$0x3], $0x80, $0x38;
	[tilespmem:$0xB120] =	vst v63  }
0xdc: {  	s19 =	sadd.s32 $0x40, s10  }
0xdd: {  	[hbm4b:s19+s6] =	stream.linear.scatter [tilespmem:s30], [sflag:$0x3], $0x80, $0x38;
	[tilespmem:$0xB120] =	vst v63  }
0xde: {  	s12 =	sadd.s32 $0x50, s10  }
0xdf: {  	[hbm4b:s12+s6] =	stream.linear.scatter [tilespmem:s31], [sflag:$0x3], $0x80, $0x38;
	[tilespmem:$0xB120] =	vst v63  }
.Ltmp5:
0xe0: {  	_ = 	snop;
	(pc) =	sbr.rel @p2 .LBB2_8-.Ltmp5, $4  }
0xe1: {  	s19 =	sadd.s32 $0x60, s10  }
0xe2: {  	[hbm4b:s19+s6] =	stream.linear.scatter [tilespmem:s3], [sflag:$0x3], $0x80, $0x38;
	[tilespmem:$0xB120] =	vst v63  }
0xe3: {  	s10 =	sadd.s32 $0x70, s10  }
0xe4: {  	[hbm4b:s10+s6] =	stream.linear.scatter [tilespmem:s0], [sflag:$0x3], $0x80, $0x38;
	[tilespmem:$0xB120] =	vst v63  }
0xe5: {  	s10 =	sadd.s32 $0x2, s18  }
0xe6: {  	p2 =	sge.u32 s10, s9  }
0xe7: {  	s10 =	sshll.u32 @!p2 s10, $0x7;
	s11 =	simm.s32 @!p2 $0x80;
	s18 =	simm.s32 @!p2 $0x4F00  }
0xe8: {  	[tilespmem:s18], [sflag:$0x1] =	stream.indirect.gather @!p2 [hbm4b:s8+s11], $0x20, s10, s11, $0xb8;
	[tilespmem:$0xB120] =	vst v63  }
0xe9: {  	s10 =	sadd.s32 @!p2 $0x2780, s10;
	s18 =	simm.s32 @!p2 $0x5F00  }
0xea: {  	[tilespmem:s18], [sflag:$0x1] =	stream.indirect.gather @!p2 [hbm4b:s8+s11], $0x20, s10, s11, $0xb8;
	[tilespmem:$0xB120] =	vst v63  }
0xeb: {  	_ =	swait.ge [sflag:s1], $0x1000  }
0xec: {  	[sflag:s1] =	ssyncset.done $0x0  }
0xed: {  	[sflag:s1] =	ssyncadd.s32 $0xFFFFF000  }
0xee: {  	_ =	swait.ge [sflag:s1], $0x1000  }
0xef: {  	[sflag:s1] =	ssyncset.done $0x0  }
0xf0: {  	s10 =	simm.s32 @!p1 $0x4;
	[sflag:s1] =	ssyncadd.s32 $0xFFFFF000  }
0xf1: {  	_ =	swait.ge @!p1 [sflag:s10], $0x800  }
0xf2: {  	[sflag:s10] =	ssyncset.done @!p1 $0x0  }
0xf3: {  	[sflag:s10] =	ssyncadd.s32 @!p1 $0xFFFFF800  }
0xf4: {  	_ =	swait.ge @!p1 [sflag:s10], $0x800  }
0xf5: {  	[sflag:s10] =	ssyncset.done @!p1 $0x0  }
0xf6: {  	s19 =	simm.s32 $0x6F80;
	[sflag:s10] =	ssyncadd.s32 @!p1 $0xFFFFF800  }
0xf7: {  	s18 =	simm.s32 $0x7F80;
	v12 =	vld [tilespmem:s19+$0x60]  }
0xf8: {  	v13 =	vld [tilespmem:s18+$0x60]  }
0xf9: {  	v14 =	vld [tilespmem:s19+$0x70]  }
0xfa: {  	v15 =	vld [tilespmem:s18+$0x70]  }
0xfb: {  	v10 =	vld [tilespmem:s18+$0xFFFFFF80]  }
0xfc: {  	v17 =	vld [tilespmem:s19+$0xFFFFFF90]  }
0xfd: {  	v18 =	vld [tilespmem:s18+$0xFFFFFF90]  }
0xfe: {  	v16 =	vld [tilespmem:s19+$0xFFFFFFA0]  }
0xff: {  	v19 =	vld [tilespmem:s18+$0xFFFFFFA0]  }
0x100: {  	v20 =	vld [tilespmem:s19+$0xFFFFFFB0]  }
0x101: {  	v21 =	vld [tilespmem:s18+$0xFFFFFFB0]  }
0x102: {  	v22 =	vld [tilespmem:s19+$0xFFFFFFC0]  }
0x103: {  	v23 =	vld [tilespmem:s18+$0xFFFFFFC0]  }
0x104: {  	v24 =	vld [tilespmem:s19+$0xFFFFFFD0]  }
0x105: {  	v11 =	vimm.s32 $0x0;
	v25 =	vld [tilespmem:s18+$0xFFFFFFD0]  }
0x106: {  	v26 =	vadd.s32 v7, v11;
	v27 =	vld [tilespmem:s19+$0xFFFFFFE0]  }
0x107: {  	v58 =	vld [tilespmem:s18+$0x10];
	v12 =	vsub.f32 v12, v13  }
0x108: {  	v28 =	vadd.s32 v1, v11;
	v13 =	vld [tilespmem:s18+$0xFFFFFFE0];
	v14 =	vsub.f32 v14, v15  }
0x109: {  	v15 =	vld [tilespmem:s19+$0xFFFFFFF0];
	v16 =	vsub.f32 v16, v19;
	v12 =	vadd.f32 v12, v8  }
0x10a: {  	v19 =	vld [tilespmem:s18+$0xFFFFFFF0];
	v20 =	vsub.f32 v20, v21;
	v14 =	vadd.f32 v14, v9  }
0x10b: {  	v29 =	vadd.s32 v2, v11;
	v21 =	vld [tilespmem:s19+$0x0];
	[tilespmem:v26+s2+$0x0] =	vst.idx.msk $0xffff, v12;
	v12 =	vadd.f32 v16, v8  }
0x10c: {  	v16 =	vld [tilespmem:s18+$0x0];
	[tilespmem:v26+s15+$0x0] =	vst.idx.msk $0xffff, v14;
	v14 =	vadd.f32 v20, v9;
	v20 =	vsub.f32 v22, v23  }
0x10d: {  	v22 =	vld [tilespmem:s19+$0x10];
	v23 =	vsub.f32 v24, v25;
	[tilespmem:v28+s2+$0x0] =	vst.idx.msk $0xffff, v12  }
0x10e: {  	v59 =	vadd.s32 v3, v11;
	v60 =	vld [tilespmem:s18+$0x20];
	[tilespmem:v28+s15+$0x0] =	vst.idx.msk $0xffff, v14;
	v14 =	vadd.f32 v20, v8  }
0x10f: {  	v61 =	vadd.s32 v4, v11;
	v13 =	vsub.f32 v27, v13;
	v20 =	vld [tilespmem:s19+$0x20];
	v23 =	vadd.f32 v23, v9  }
0x110: {  	v62 =	vld [tilespmem:s19+$0x30];
	v12 =	vadd.s32 v0, v11;
	[tilespmem:v29+s2+$0x0] =	vst.idx.msk $0xffff, v14;
	v14 =	vsub.f32 v15, v19  }
0x111: {  	v13 =	vadd.f32 v13, v8;
	v19 =	vsub.f32 v21, v16;
	[tilespmem:v29+s15+$0x0] =	vst.idx.msk $0xffff, v23;
	v23 =	vld [tilespmem:s18+$0x30]  }
0x112: {  	v15 =	vadd.s32 v5, v11;
	v16 =	vld [tilespmem:s19+$0x40];
	v21 =	vsub.f32 v22, v58;
	v14 =	vadd.f32 v14, v9  }
0x113: {  	[tilespmem:v59+s2+$0x0] =	vst.idx.msk $0xffff, v13;
	v22 =	vsub.f32 v17, v18;
	v18 =	vld [tilespmem:s18+$0x40];
	v19 =	vadd.f32 v19, v8  }
0x114: {  	v17 =	vld [tilespmem:s19+$0x50];
	v21 =	vadd.f32 v21, v9;
	v63 =	vsub.f32 v20, v60;
	[tilespmem:v59+s15+$0x0] =	vst.idx.msk $0xffff, v14  }
0x115: {  	v13 =	vadd.s32 v6, v11;
	v14 =	vadd.f32 v22, v9;
	[tilespmem:v61+s2+$0x0] =	vst.idx.msk $0xffff, v19;
	v19 =	vld [tilespmem:s18+$0x50]  }
0x116: {  	s11 =	simm.s32 $0x7080;
	s10 =	simm.s32 $0x0;
	v20 =	vld [tilespmem:s19+$0xFFFFFF80];
	[tilespmem:v61+s15+$0x0] =	vst.idx.msk $0xffff, v21;
	v21 =	vadd.f32 v63, v8;
	v22 =	vsub.f32 v62, v23  }
.LBB2_6:
0x117: {  	v23 =	vld [tilespmem:s11+$0x60];
	s18 =	sadd.s32 $0x100, s18  }
0x118: {  	v24 =	vld [tilespmem:s18+$0x60];
	v22 =	vadd.f32 v22, v9;
	[tilespmem:v15+s2+$0x0] =	vst.idx.msk $0xffff, v21;
	v16 =	vsub.f32 v16, v18  }
0x119: {  	v18 =	vld [tilespmem:s11+$0x70]  }
0x11a: {  	s10 =	sadd.s32 $0x8, s10;
	v21 =	vld [tilespmem:s18+$0x70];
	[tilespmem:v15+s15+$0x0] =	vst.idx.msk $0xffff, v22;
	v15 =	vadd.f32 v16, v8;
	v16 =	vsub.f32 v17, v19  }
0x11b: {  	p1 =	slt.u32 s10, $0x78;
	v17 =	vsub.f32 v20, v10;
	v10 =	vld [tilespmem:s18+$0xFFFFFF80]  }
0x11c: {  	v11 =	vadd.s32 $0x8, v11;
	v19 =	vld [tilespmem:s11+$0xFFFFFF90];
	v16 =	vadd.f32 v16, v9;
	[tilespmem:v13+s2+$0x0] =	vst.idx.msk $0xffff, v15  }
0x11d: {  	v25 =	vadd.s32 v7, v11;
	v22 =	vadd.s32 v0, v11;
	v20 =	vld [tilespmem:s18+$0xFFFFFF90];
	v17 =	vadd.f32 v17, v8  }
0x11e: {  	v27 =	vadd.s32 v1, v11;
	v28 =	vadd.s32 v2, v11;
	v23 =	vsub.f32 v23, v24;
	v26 =	vld [tilespmem:s11+$0xFFFFFFA0]  }
0x11f: {  	v29 =	vadd.s32 v3, v11;
	v30 =	vadd.s32 v4, v11;
	v24 =	vld [tilespmem:s18+$0xFFFFFFA0];
	v18 =	vsub.f32 v18, v21  }
0x120: {  	v31 =	vadd.s32 v6, v11;
	v15 =	vadd.s32 v5, v11;
	v23 =	vadd.f32 v23, v8;
	v21 =	vld [tilespmem:s11+$0xFFFFFFB0]  }
0x121: {  	v32 =	vld [tilespmem:s18+$0xFFFFFFB0];
	v18 =	vadd.f32 v18, v9;
	[tilespmem:v12+s2+$0x0] =	vst.idx.msk $0xffff, v17  }
0x122: {  	v17 =	vsub.f32 v19, v20;
	v19 =	vld [tilespmem:s11+$0xFFFFFFC0];
	[tilespmem:v25+s2+$0x0] =	vst.idx.msk $0xffff, v23  }
0x123: {  	v20 =	vld [tilespmem:s18+$0xFFFFFFC0];
	[tilespmem:v25+s15+$0x0] =	vst.idx.msk $0xffff, v18  }
0x124: {  	v18 =	vsub.f32 v26, v24;
	v23 =	vld [tilespmem:s11+$0xFFFFFFD0];
	[tilespmem:v12+s15+$0x0] =	vst.idx.msk $0xffff, v14;
	v14 =	vadd.f32 v17, v9;
	v12 =	vmov v22  }
0x125: {  	v17 =	vld [tilespmem:s18+$0xFFFFFFD0];
	[tilespmem:v13+s15+$0x0] =	vst.idx.msk $0xffff, v16;
	v13 =	vmov v31  }
0x126: {  	v16 =	vadd.f32 v18, v8;
	v18 =	vsub.f32 v21, v32;
	v21 =	vld [tilespmem:s11+$0xFFFFFFE0]  }
0x127: {  	v22 =	vld [tilespmem:s18+$0xFFFFFFE0]  }
0x128: {  	v18 =	vadd.f32 v18, v9;
	[tilespmem:v27+s2+$0x0] =	vst.idx.msk $0xffff, v16;
	v16 =	vsub.f32 v19, v20;
	v19 =	vld [tilespmem:s11+$0xFFFFFFF0]  }
0x129: {  	v20 =	vld [tilespmem:s18+$0xFFFFFFF0]  }
0x12a: {  	[tilespmem:v27+s15+$0x0] =	vst.idx.msk $0xffff, v18;
	v16 =	vadd.f32 v16, v8;
	v17 =	vsub.f32 v23, v17;
	v18 =	vld [tilespmem:s11+$0x0]  }
0x12b: {  	v23 =	vld [tilespmem:s18+$0x0]  }
0x12c: {  	v17 =	vadd.f32 v17, v9;
	[tilespmem:v28+s2+$0x0] =	vst.idx.msk $0xffff, v16;
	v16 =	vsub.f32 v21, v22;
	v21 =	vld [tilespmem:s11+$0x10]  }
0x12d: {  	v22 =	vld [tilespmem:s18+$0x10]  }
0x12e: {  	[tilespmem:v28+s15+$0x0] =	vst.idx.msk $0xffff, v17;
	v16 =	vadd.f32 v16, v8;
	v17 =	vsub.f32 v19, v20;
	v19 =	vld [tilespmem:s11+$0x20]  }
0x12f: {  	v20 =	vld [tilespmem:s18+$0x20]  }
0x130: {  	v17 =	vadd.f32 v17, v9;
	[tilespmem:v29+s2+$0x0] =	vst.idx.msk $0xffff, v16;
	v16 =	vsub.f32 v18, v23;
	v23 =	vld [tilespmem:s11+$0x30]  }
0x131: {  	v24 =	vld [tilespmem:s18+$0x30]  }
.Ltmp6:
0x132: {  	[tilespmem:v29+s15+$0x0] =	vst.idx.msk $0xffff, v17;
	v17 =	vadd.f32 v16, v8;
	v21 =	vsub.f32 v21, v22;
	v16 =	vld [tilespmem:s11+$0x40];
	(pc) =	sbr.rel @p1 .LBB2_6-.Ltmp6, $4  }
0x133: {  	v18 =	vld [tilespmem:s18+$0x40]  }
0x134: {  	v21 =	vadd.f32 v21, v9;
	[tilespmem:v30+s2+$0x0] =	vst.idx.msk $0xffff, v17;
	v22 =	vsub.f32 v19, v20;
	v17 =	vld [tilespmem:s11+$0x50]  }
0x135: {  	v19 =	vld [tilespmem:s18+$0x50]  }
0x136: {  	v20 =	vld [tilespmem:s11+$0xFFFFFF80];
	[tilespmem:v30+s15+$0x0] =	vst.idx.msk $0xffff, v21;
	v21 =	vadd.f32 v22, v8;
	v22 =	vsub.f32 v23, v24;
	s11 =	sadd.s32 $0x100, s11  }
0x137: {  	_ = 	snop  }
0x138: {  	v11 =	vsub.f32 v16, v18;
	_ =	sdelay $0x1  }
0x139: {  	v11 =	vadd.f32 v11, v8;
	v63 =	vsub.f32 v17, v19  }
0x13a: {  	v62 =	vadd.f32 v22, v9;
	[tilespmem:v15+s2+$0x0] =	vst.idx.msk $0xffff, v21;
	v10 =	vsub.f32 v20, v10  }
0x13b: {  	[tilespmem:v13+s2+$0x0] =	vst.idx.msk $0xffff, v11;
	v11 =	vadd.f32 v63, v9  }
0x13c: {  	s10 =	sadd.s32 s7, s21;
	[tilespmem:v15+s15+$0x0] =	vst.idx.msk $0xffff, v62;
	v10 =	vadd.f32 v10, v8  }
0x13d: {  	s10 =	sshll.u32 s10, $0x7;
	[tilespmem:v13+s15+$0x0] =	vst.idx.msk $0xffff, v11  }
0x13e: {  	s10 =	sand.u32 $0x1FFFFF80, s10;
	[tilespmem:v12+s2+$0x0] =	vst.idx.msk $0xffff, v10  }
0x13f: {  	s11 =	sadd.s32 s4, s10;
	[tilespmem:v12+s15+$0x0] =	vst.idx.msk $0xffff, v14  }
0x140: {  	[hbm4b:s11+s6] =	stream.linear.scatter [tilespmem:s2], [sflag:$0x4], $0x80, $0x38;
	[tilespmem:$0xB120] =	vst v63  }
0x141: {  	s12 =	simm.s32 $0xA088;
	s18 =	sadd.s32 $0x10, s11  }
0x142: {  	[hbm4b:s18+s6] =	stream.linear.scatter [tilespmem:s12], [sflag:$0x4], $0x80, $0x38;
	[tilespmem:$0xB120] =	vst v63  }
0x143: {  	s21 =	simm.s32 $0xA110;
	s19 =	sadd.s32 $0x20, s11  }
0x144: {  	[hbm4b:s19+s6] =	stream.linear.scatter [tilespmem:s21], [sflag:$0x4], $0x80, $0x38;
	[tilespmem:$0xB120] =	vst v63  }
0x145: {  	s19 =	sadd.s32 $0x30, s11;
	s21 =	simm.s32 $0xA198  }
0x146: {  	[hbm4b:s19+s6] =	stream.linear.scatter [tilespmem:s21], [sflag:$0x4], $0x80, $0x38;
	[tilespmem:$0xB120] =	vst v63  }
0x147: {  	s19 =	sadd.s32 $0x40, s11;
	s21 =	simm.s32 $0xA220  }
0x148: {  	[hbm4b:s19+s6] =	stream.linear.scatter [tilespmem:s21], [sflag:$0x4], $0x80, $0x38;
	[tilespmem:$0xB120] =	vst v63  }
0x149: {  	s19 =	sadd.s32 $0x50, s11;
	s21 =	simm.s32 $0xA2A8  }
0x14a: {  	[hbm4b:s19+s6] =	stream.linear.scatter [tilespmem:s21], [sflag:$0x4], $0x80, $0x38;
	[tilespmem:$0xB120] =	vst v63  }
0x14b: {  	s19 =	sadd.s32 $0x60, s11;
	s21 =	simm.s32 $0xA330  }
0x14c: {  	[hbm4b:s19+s6] =	stream.linear.scatter [tilespmem:s21], [sflag:$0x4], $0x80, $0x38;
	[tilespmem:$0xB120] =	vst v63  }
0x14d: {  	s19 =	sadd.s32 $0x70, s11;
	s21 =	simm.s32 $0xA3B8  }
0x14e: {  	[hbm4b:s19+s6] =	stream.linear.scatter [tilespmem:s21], [sflag:$0x4], $0x80, $0x38;
	[tilespmem:$0xB120] =	vst v63  }
0x14f: {  	s18 =	simm.s32 $0xA440;
	s11 =	sadd.s32 $0x4E200, s11  }
0x150: {  	[hbm4b:s11+s6] =	stream.linear.scatter [tilespmem:s18], [sflag:$0x4], $0x80, $0x38;
	[tilespmem:$0xB120] =	vst v63  }
0x151: {  	s19 =	sadd.s32 $0x10, s11;
	s21 =	simm.s32 $0xA4C8  }
0x152: {  	[hbm4b:s19+s6] =	stream.linear.scatter [tilespmem:s21], [sflag:$0x4], $0x80, $0x38;
	[tilespmem:$0xB120] =	vst v63  }
0x153: {  	s19 =	sadd.s32 $0x20, s11;
	s21 =	simm.s32 $0xA550  }
0x154: {  	[hbm4b:s19+s6] =	stream.linear.scatter [tilespmem:s21], [sflag:$0x4], $0x80, $0x38;
	[tilespmem:$0xB120] =	vst v63  }
0x155: {  	s19 =	sadd.s32 $0x30, s11;
	s21 =	simm.s32 $0xA5D8  }
0x156: {  	[hbm4b:s19+s6] =	stream.linear.scatter [tilespmem:s21], [sflag:$0x4], $0x80, $0x38;
	[tilespmem:$0xB120] =	vst v63  }
0x157: {  	s19 =	sadd.s32 $0x40, s11;
	s21 =	simm.s32 $0xA660  }
0x158: {  	[hbm4b:s19+s6] =	stream.linear.scatter [tilespmem:s21], [sflag:$0x4], $0x80, $0x38;
	[tilespmem:$0xB120] =	vst v63  }
0x159: {  	s19 =	sadd.s32 $0x50, s11;
	s21 =	simm.s32 $0xA6E8  }
0x15a: {  	[hbm4b:s19+s6] =	stream.linear.scatter [tilespmem:s21], [sflag:$0x4], $0x80, $0x38;
	[tilespmem:$0xB120] =	vst v63  }
0x15b: {  	s19 =	sadd.s32 $0x60, s11;
	s21 =	simm.s32 $0xA770  }
0x15c: {  	[hbm4b:s19+s6] =	stream.linear.scatter [tilespmem:s21], [sflag:$0x4], $0x80, $0x38;
	[tilespmem:$0xB120] =	vst v63  }
0x15d: {  	s18 =	simm.s32 $0xA7F8;
	s11 =	sadd.s32 $0x70, s11  }
0x15e: {  	[hbm4b:s11+s6] =	stream.linear.scatter [tilespmem:s18], [sflag:$0x4], $0x80, $0x38;
	[tilespmem:$0xB120] =	vst v63  }
0x15f: {  	s10 =	sadd.s32 s5, s10  }
0x160: {  	[hbm4b:s10+s6] =	stream.linear.scatter [tilespmem:s15], [sflag:$0x4], $0x80, $0x38;
	[tilespmem:$0xB120] =	vst v63  }
0x161: {  	s19 =	sadd.s32 $0x10, s10;
	s21 =	simm.s32 $0xA908  }
0x162: {  	[hbm4b:s19+s6] =	stream.linear.scatter [tilespmem:s21], [sflag:$0x4], $0x80, $0x38;
	[tilespmem:$0xB120] =	vst v63  }
0x163: {  	s12 =	sadd.s32 $0x20, s10;
	s18 =	simm.s32 $0xA990  }
0x164: {  	[hbm4b:s12+s6] =	stream.linear.scatter [tilespmem:s18], [sflag:$0x4], $0x80, $0x38;
	[tilespmem:$0xB120] =	vst v63  }
0x165: {  	s19 =	sadd.s32 $0x30, s10;
	s21 =	simm.s32 $0xAA18  }
0x166: {  	[hbm4b:s19+s6] =	stream.linear.scatter [tilespmem:s21], [sflag:$0x4], $0x80, $0x38;
	[tilespmem:$0xB120] =	vst v63  }
0x167: {  	s12 =	sadd.s32 $0x40, s10;
	s18 =	simm.s32 $0xAAA0  }
0x168: {  	[hbm4b:s12+s6] =	stream.linear.scatter [tilespmem:s18], [sflag:$0x4], $0x80, $0x38;
	[tilespmem:$0xB120] =	vst v63  }
0x169: {  	s19 =	sadd.s32 $0x50, s10;
	s21 =	simm.s32 $0xAB28  }
0x16a: {  	[hbm4b:s19+s6] =	stream.linear.scatter [tilespmem:s21], [sflag:$0x4], $0x80, $0x38;
	[tilespmem:$0xB120] =	vst v63  }
0x16b: {  	s12 =	sadd.s32 $0x60, s10;
	s18 =	simm.s32 $0xABB0  }
0x16c: {  	[hbm4b:s12+s6] =	stream.linear.scatter [tilespmem:s18], [sflag:$0x4], $0x80, $0x38;
	[tilespmem:$0xB120] =	vst v63  }
0x16d: {  	s19 =	sadd.s32 $0x70, s10;
	s21 =	simm.s32 $0xAC38  }
0x16e: {  	[hbm4b:s19+s6] =	stream.linear.scatter [tilespmem:s21], [sflag:$0x4], $0x80, $0x38;
	[tilespmem:$0xB120] =	vst v63  }
0x16f: {  	s10 =	sadd.s32 $0x4E200, s10;
	s18 =	simm.s32 $0xACC0  }
0x170: {  	[hbm4b:s10+s6] =	stream.linear.scatter [tilespmem:s18], [sflag:$0x4], $0x80, $0x38;
	[tilespmem:$0xB120] =	vst v63  }
0x171: {  	s19 =	sadd.s32 $0x10, s10;
	s21 =	simm.s32 $0xAD48  }
0x172: {  	[hbm4b:s19+s6] =	stream.linear.scatter [tilespmem:s21], [sflag:$0x4], $0x80, $0x38;
	[tilespmem:$0xB120] =	vst v63  }
0x173: {  	s12 =	sadd.s32 $0x20, s10;
	s18 =	simm.s32 $0xADD0  }
0x174: {  	[hbm4b:s12+s6] =	stream.linear.scatter [tilespmem:s18], [sflag:$0x4], $0x80, $0x38;
	[tilespmem:$0xB120] =	vst v63  }
0x175: {  	s19 =	sadd.s32 $0x30, s10;
	s21 =	simm.s32 $0xAE58  }
0x176: {  	[hbm4b:s19+s6] =	stream.linear.scatter [tilespmem:s21], [sflag:$0x4], $0x80, $0x38;
	[tilespmem:$0xB120] =	vst v63  }
0x177: {  	s12 =	sadd.s32 $0x40, s10;
	s18 =	simm.s32 $0xAEE0  }
0x178: {  	[hbm4b:s12+s6] =	stream.linear.scatter [tilespmem:s18], [sflag:$0x4], $0x80, $0x38;
	[tilespmem:$0xB120] =	vst v63  }
0x179: {  	s19 =	sadd.s32 $0x50, s10;
	s21 =	simm.s32 $0xAF68  }
0x17a: {  	[hbm4b:s19+s6] =	stream.linear.scatter [tilespmem:s21], [sflag:$0x4], $0x80, $0x38;
	[tilespmem:$0xB120] =	vst v63  }
.Ltmp7:
0x17b: {  	_ = 	snop;
	(pc) =	sbr.rel .LBB2_8-.Ltmp7, $4  }
0x17c: {  	s18 =	sadd.s32 $0x60, s10;
	s19 =	simm.s32 $0xAFF0  }
0x17d: {  	[hbm4b:s18+s6] =	stream.linear.scatter [tilespmem:s19], [sflag:$0x4], $0x80, $0x38;
	[tilespmem:$0xB120] =	vst v63  }
0x17e: {  	s10 =	sadd.s32 $0x70, s10;
	s21 =	simm.s32 $0xB078  }
0x17f: {  	[hbm4b:s10+s6] =	stream.linear.scatter [tilespmem:s21], [sflag:$0x4], $0x80, $0x38;
	[tilespmem:$0xB120] =	vst v63  }
.LBB2_10:
0x180: {  	_ =	sfence.sel $0x180000  }
0x181: {  	[bflag:$0x0] =	sbarrier.arrive $0xFFFF  }
0x182: {  	_ =	strace $0x90000047  }
0x183: {  	s0 =	stileid.u32;
	[bflag:$0x2] =	sbarrier.arrive $0xFFFF  }
0x184: {  	p0 =	sne.s32 s0, $0x0;
	s0 =	rddreg [dreg:$0x5]  }
0x185: {  	s0 =	sadd.s32 @!p0 $0x100000, s0  }
0x186: {  	[sflag:s0] =	ssyncadd.tile.s32 @!p0 $0x1;
	_ =	shalt  }
.Lfunc_end2:
_tile_overlayer_lowered:
.L_overlay_start_2:
0x187: {  	(tag) =	ssettag $0x2  }
0x188: {  	s0 =	rddreg [dreg:$0x0];
	s2 =	stileid.u32  }
0x189: {  	s1 =	rddreg [dreg:$0x1];
	p0 =	sne.s32 s2, $0x0  }
0x18a: {  	s3 =	rddreg [dreg:$0x2];
	[bflag:$0x3] =	sbarrier.arrive $0xFFFF;
	s2 =	simm.s32 @!p0 $0x1C05  }
0x18b: {  	[timem:s3], [sflag:s2] =	dma.local @!p0 [hbm:s0], s1  }
0x18c: {  	s0 =	simm.s32 @!p0 $0x5  }
0x18d: {  	_ =	swait.ge @!p0 [sflag:s0], s1  }
0x18e: {  	s1 =	ssub.s32 @!p0 $0x0, s1;
	[sflag:s0] =	ssyncset.done @!p0 $0x0  }
0x18f: {  	[sflag:s0] =	ssyncadd.s32 @!p0 s1  }
0x190: {  	[bflag:$0x3] =	sbarrier.arrive $0xFFFF  }
0x191: {  	_ =	shalt  }

</sc_bundles>
